<compile_context>
chip_gen: v7x
topology: tpu7x:2x2x1
jax: 0.10.2.dev20260603
libtpu: 0.0.44.dev20260713+nightly
codegen_flags: <defaults>
</compile_context>

<pallas_src>
import functools

import jax
import jax.numpy as jnp
from jax import lax
from jax.experimental import pallas as pl
from jax.experimental.pallas import tpu as pltpu
from jax.experimental.pallas import tpu_sc as plsc

_VOCAB = 2051
_LANES = 16

_NC = 2
_NS = 16
_NW = _NC * _NS

_CHUNK_A = 32
_CHUNK_B = 24
_IDXW = 32


@functools.lru_cache(maxsize=None)
def _build(n_tokens: int, vocab_rows: int, d: int):
    per_w = n_tokens // _NW
    chunks = []
    off = 0
    use_a = True
    while off < per_w:
        size = _CHUNK_A if use_a else _CHUNK_B
        size = min(size, per_w - off)
        chunks.append((off, size, 0 if use_a else 1))
        off += size
        use_a = not use_a
    n_chunks = len(chunks)
    assert chunks[-1][0] + _IDXW <= per_w

    mesh = plsc.VectorSubcoreMesh(core_axis_name="c", subcore_axis_name="s")

    @functools.partial(
        pl.kernel,
        out_type=jax.ShapeDtypeStruct((n_tokens, d), jnp.float32),
        mesh=mesh,
        scratch_types=[
            pltpu.VMEM((per_w,), jnp.int32),
            pltpu.VMEM((per_w,), jnp.int32),
            pltpu.VMEM((n_chunks, _IDXW), jnp.int32),
            pltpu.VMEM((_CHUNK_A, d), jnp.float32),
            pltpu.VMEM((_CHUNK_B, d), jnp.float32),
            pltpu.SemaphoreType.DMA,
            pltpu.SemaphoreType.DMA,
            pltpu.SemaphoreType.DMA,
            pltpu.SemaphoreType.DMA,
        ],
    )
    def gather_kernel(ids_hbm, cbs_hbm, table_hbm, out_hbm,
                      ids_v, cbs_v, idx_v, buf_a, buf_b,
                      gsem_a, gsem_b, wsem_a, wsem_b):
        bufs = (buf_a, buf_b)
        gsems = (gsem_a, gsem_b)
        wsems = (wsem_a, wsem_b)
        wid = lax.axis_index("s") * _NC + lax.axis_index("c")
        base = wid * per_w

        pltpu.sync_copy(ids_hbm.at[pl.ds(base, per_w)], ids_v)
        pltpu.sync_copy(cbs_hbm.at[pl.ds(base, per_w)], cbs_v)

        def fill_idx(j):
            t0, size, _ = chunks[j]
            for p in range(0, size, _LANES):
                flat = (ids_v[pl.ds(t0 + p, _LANES)]
                        + cbs_v[pl.ds(t0 + p, _LANES)] * _VOCAB)
                idx_v[j, pl.ds(p, _LANES)] = flat

        def start_gather(j):
            _, size, b = chunks[j]
            return pltpu.async_copy(
                table_hbm.at[idx_v.at[j, pl.ds(0, size)]], bufs[b], gsems[b])

        def start_write(j):
            t0, size, b = chunks[j]
            return pltpu.async_copy(
                bufs[b], out_hbm.at[pl.ds(base + t0, size)], wsems[b])

        fill_idx(0)
        g0 = start_gather(0)
        fill_idx(1)
        g1 = start_gather(1)
        for j in range(2, n_chunks):
            fill_idx(j)

        g = [g0, g1] + [None] * (n_chunks - 2)
        w = [None] * n_chunks
        for k in range(n_chunks):
            g[k].wait()
            w[k] = start_write(k)
            if k + 2 < n_chunks:
                w[k].wait()
                g[k + 2] = start_gather(k + 2)
        for k in range(max(0, n_chunks - 2), n_chunks):
            w[k].wait()

    return gather_kernel


def kernel(input_ids, codebook_idxs, embed_audio_tokens_weight):
    b, s = input_ids.shape
    vocab_rows, d = embed_audio_tokens_weight.shape
    flat_ids = input_ids.reshape(-1).astype(jnp.int32)
    flat_cbs = codebook_idxs.reshape(-1).astype(jnp.int32)
    out = _build(b * s, vocab_rows, d)(flat_ids, flat_cbs, embed_audio_tokens_weight)
    return out.reshape(b, s, d)

# --- scband reference (transcript-rebuilt; emitter-appended) ---
"""Pipeline reference for scband-conversational-speech-model-embeddings-29772713296026 (READ-ONLY COPY).

The authoritative reference and input builder live on the scoring server;
editing this copy changes nothing except your own understanding.
"""

import jax, jax.numpy as jnp
import numpy as np

NUM_CODEBOOKS = 32
CODEBOOK_VOCAB_SIZE = 2051
BACKBONE_HIDDEN_SIZE = 2048
CODEBOOK_PADDING_IDX = 0
BATCH = 4
SEQ = 2048


def setup_inputs(seed: int = 0) -> dict:
    key = jax.random.key(seed)
    k1, k2, k3 = jax.random.split(key, 3)
    input_ids = jax.random.randint(k1, (BATCH, SEQ), 0, CODEBOOK_VOCAB_SIZE)
    codebook_idxs = jax.random.randint(k2, (BATCH, SEQ), 0, NUM_CODEBOOKS)
    embed_audio_tokens_weight = jax.random.normal(
        k3, (NUM_CODEBOOKS * CODEBOOK_VOCAB_SIZE, BACKBONE_HIDDEN_SIZE), dtype=jnp.float32
    ) * 0.02
    # padding row initialized to zeros, matching nn.Embedding(padding_idx=...)
    embed_audio_tokens_weight = embed_audio_tokens_weight.at[CODEBOOK_PADDING_IDX].set(0.0)
    return {
        "input_ids": input_ids,
        "codebook_idxs": codebook_idxs,
        "embed_audio_tokens_weight": embed_audio_tokens_weight,
    }


def reference(input_ids, codebook_idxs, embed_audio_tokens_weight):
    # offset = codebook_idxs * codebook_vocab_size
    offset = codebook_idxs * CODEBOOK_VOCAB_SIZE
    flat_ids = input_ids + offset
    # nn.Embedding forward == row gather from the table
    return jnp.take(embed_audio_tokens_weight, flat_ids, axis=0)

if __name__ == "__main__":
    import jax
    _d = setup_inputs()
    print(jax.jit(kernel)(*tuple(_d.values())))

</pallas_src>

<mosaic_0001>
#map = affine_map<(d0, d1) -> (0)>
#map1 = affine_map<(d0, d1) -> (0, 0)>
module attributes {stable_mosaic.version = 14 : i64} {
  func.func @gather_kernel(%arg0: i32, %arg1: i32, %arg2: memref<8192xi32, #tpu.memory_space<hbm>>, %arg3: memref<8192xi32, #tpu.memory_space<hbm>>, %arg4: memref<65632x2048xf32, #tpu.memory_space<hbm>>, %arg5: memref<8192x2048xf32, #tpu.memory_space<hbm>>, %arg6: memref<256xi32, #tpu.memory_space<vmem>>, %arg7: memref<256xi32, #tpu.memory_space<vmem>>, %arg8: memref<9x32xi32, #tpu.memory_space<vmem>>, %arg9: memref<32x2048xf32, #tpu.memory_space<vmem>>, %arg10: memref<24x2048xf32, #tpu.memory_space<vmem>>, %arg11: memref<!tpu.dma_semaphore, #tpu.memory_space<semaphore_mem>>, %arg12: memref<!tpu.dma_semaphore, #tpu.memory_space<semaphore_mem>>, %arg13: memref<!tpu.dma_semaphore, #tpu.memory_space<semaphore_mem>>, %arg14: memref<!tpu.dma_semaphore, #tpu.memory_space<semaphore_mem>>) attributes {dimension_semantics = [#tpu.dimension_semantics<core_parallel>, #tpu.dimension_semantics<subcore_parallel>], iteration_bounds = array<i64: 2, 16>, scalar_prefetch = 0 : i64, scratch_operands = 9 : i64, tpu.core_type = #tpu.core_type<sc_vector_subcore>, window_params = [{transform_indices = #map}, {transform_indices = #map}, {transform_indices = #map1}, {transform_indices = #map1}]} {
    %mul3A = arith.constant 2 : i32
    %mul3A_0 = arith.muli %arg1, %mul3A : i32
    %add3A = arith.addi %mul3A_0, %arg0 : i32
    %mul3A_1 = arith.constant 256 : i32
    %mul3A_2 = arith.muli %add3A, %mul3A_1 : i32
    "tpu.region"() ({
      %run_scoped3A = tpu.sem_alloc : memref<!tpu.dma_semaphore, #tpu.memory_space<semaphore_mem>>
      %dma_start3A_503 = tpu.memref_slice %arg2[%mul3A_2] : memref<8192xi32, #tpu.memory_space<hbm>> -> memref<256xi32, #tpu.memory_space<hbm>>
      %dma_start3A_504 = tpu.memref_slice %arg2[%mul3A_2] : memref<8192xi32, #tpu.memory_space<hbm>> -> memref<256xi32, #tpu.memory_space<hbm>>
      tpu.enqueue_dma source(%dma_start3A_504 : memref<256xi32, #tpu.memory_space<hbm>>) target(%arg6 : memref<256xi32, #tpu.memory_space<vmem>>) target_semaphore(%run_scoped3A : memref<!tpu.dma_semaphore, #tpu.memory_space<semaphore_mem>>)
      %dma_wait3A_505 = tpu.memref_slice %arg2[%mul3A_2] : memref<8192xi32, #tpu.memory_space<hbm>> -> memref<256xi32, #tpu.memory_space<hbm>>
      %dma_wait3A_506 = tpu.memref_slice %arg2[%mul3A_2] : memref<8192xi32, #tpu.memory_space<hbm>> -> memref<256xi32, #tpu.memory_space<hbm>>
      tpu.wait_dma2 semaphore(%run_scoped3A : memref<!tpu.dma_semaphore, #tpu.memory_space<semaphore_mem>>) src(%dma_wait3A_506 : memref<256xi32, #tpu.memory_space<hbm>>) dst(%arg6 : memref<256xi32, #tpu.memory_space<vmem>>)
      tpu.yield
    }) : () -> ()
    "tpu.region"() ({
      %run_scoped3A = tpu.sem_alloc : memref<!tpu.dma_semaphore, #tpu.memory_space<semaphore_mem>>
      %dma_start3A_503 = tpu.memref_slice %arg3[%mul3A_2] : memref<8192xi32, #tpu.memory_space<hbm>> -> memref<256xi32, #tpu.memory_space<hbm>>
      %dma_start3A_504 = tpu.memref_slice %arg3[%mul3A_2] : memref<8192xi32, #tpu.memory_space<hbm>> -> memref<256xi32, #tpu.memory_space<hbm>>
      tpu.enqueue_dma source(%dma_start3A_504 : memref<256xi32, #tpu.memory_space<hbm>>) target(%arg7 : memref<256xi32, #tpu.memory_space<vmem>>) target_semaphore(%run_scoped3A : memref<!tpu.dma_semaphore, #tpu.memory_space<semaphore_mem>>)
      %dma_wait3A_505 = tpu.memref_slice %arg3[%mul3A_2] : memref<8192xi32, #tpu.memory_space<hbm>> -> memref<256xi32, #tpu.memory_space<hbm>>
      %dma_wait3A_506 = tpu.memref_slice %arg3[%mul3A_2] : memref<8192xi32, #tpu.memory_space<hbm>> -> memref<256xi32, #tpu.memory_space<hbm>>
      tpu.wait_dma2 semaphore(%run_scoped3A : memref<!tpu.dma_semaphore, #tpu.memory_space<semaphore_mem>>) src(%dma_wait3A_506 : memref<256xi32, #tpu.memory_space<hbm>>) dst(%arg7 : memref<256xi32, #tpu.memory_space<vmem>>)
      tpu.yield
    }) : () -> ()
    %get3A = arith.constant 0 : index
    %get3A_3 = tpu.vector_load %arg6[%get3A] {strides = array<i32>} : memref<256xi32, #tpu.memory_space<vmem>>, vector<16xi32>,
    %get3A_4 = vector.shape_cast %get3A_3 : vector<16xi32> to vector<16xi32>
    %get3A_5 = arith.constant 0 : index
    %get3A_6 = tpu.vector_load %arg7[%get3A_5] {strides = array<i32>} : memref<256xi32, #tpu.memory_space<vmem>>, vector<16xi32>,
    %get3A_7 = vector.shape_cast %get3A_6 : vector<16xi32> to vector<16xi32>
    %mul3A_8 = arith.constant 2051 : i32
    %mul3A_9 = vector.broadcast %mul3A_8 : i32 to vector<16xi32>
    %mul3A_10 = arith.muli %get3A_7, %mul3A_9 : vector<16xi32>
    %add3A_11 = arith.addi %get3A_4, %mul3A_10 : vector<16xi32>
    %swap3A = arith.constant 0 : i32
    %swap3A_12 = arith.index_cast %swap3A : i32 to index
    %swap3A_13 = arith.constant 0 : index
    %swap3A_14 = tpu.vector_load %arg8[%swap3A_12, %swap3A_13] {strides = array<i32>} : memref<9x32xi32, #tpu.memory_space<vmem>>, vector<1x16xi32>,
    %swap3A_15 = vector.shape_cast %swap3A_14 : vector<1x16xi32> to vector<16xi32>
    %swap3A_16 = vector.shape_cast %add3A_11 : vector<16xi32> to vector<1x16xi32>
    tpu.vector_store %arg8[%swap3A_12, %swap3A_13], %swap3A_16 {strides = array<i32>} : memref<9x32xi32, #tpu.memory_space<vmem>>, vector<1x16xi32>,
    %get3A_17 = arith.constant 16 : index
    %get3A_18 = tpu.vector_load %arg6[%get3A_17] {strides = array<i32>} : memref<256xi32, #tpu.memory_space<vmem>>, vector<16xi32>,
    %get3A_19 = vector.shape_cast %get3A_18 : vector<16xi32> to vector<16xi32>
    %get3A_20 = arith.constant 16 : index
    %get3A_21 = tpu.vector_load %arg7[%get3A_20] {strides = array<i32>} : memref<256xi32, #tpu.memory_space<vmem>>, vector<16xi32>,
    %get3A_22 = vector.shape_cast %get3A_21 : vector<16xi32> to vector<16xi32>
    %mul3A_23 = arith.constant 2051 : i32
    %mul3A_24 = vector.broadcast %mul3A_23 : i32 to vector<16xi32>
    %mul3A_25 = arith.muli %get3A_22, %mul3A_24 : vector<16xi32>
    %add3A_26 = arith.addi %get3A_19, %mul3A_25 : vector<16xi32>
    %swap3A_27 = arith.constant 0 : i32
    %swap3A_28 = arith.index_cast %swap3A_27 : i32 to index
    %swap3A_29 = arith.constant 16 : index
    %swap3A_30 = tpu.vector_load %arg8[%swap3A_28, %swap3A_29] {strides = array<i32>} : memref<9x32xi32, #tpu.memory_space<vmem>>, vector<1x16xi32>,
    %swap3A_31 = vector.shape_cast %swap3A_30 : vector<1x16xi32> to vector<16xi32>
    %swap3A_32 = vector.shape_cast %add3A_26 : vector<16xi32> to vector<1x16xi32>
    tpu.vector_store %arg8[%swap3A_28, %swap3A_29], %swap3A_32 {strides = array<i32>} : memref<9x32xi32, #tpu.memory_space<vmem>>, vector<1x16xi32>,
    %dma_start3A = arith.constant 0 : i32
    %dma_start3A_33 = arith.constant 0 : i32
    %dma_start3A_34 = tpu.memref_slice %arg8[%dma_start3A, %dma_start3A_33] : memref<9x32xi32, #tpu.memory_space<vmem>> -> memref<1x32xi32, #tpu.memory_space<vmem>>
    %dma_start3A_35 = tpu.memref_squeeze %dma_start3A_34 : memref<1x32xi32, #tpu.memory_space<vmem>> -> memref<32xi32, #tpu.memory_space<vmem>>
    %dma_start3A_36 = arith.constant 0 : i32
    %dma_start3A_37 = arith.constant 0 : i32
    %dma_start3A_38 = tpu.memref_slice %arg4[%dma_start3A_36, %dma_start3A_37] : memref<65632x2048xf32, #tpu.memory_space<hbm>> -> memref<65632x2048xf32, #tpu.memory_space<hbm>>
    tpu.enqueue_indirect_dma source(%dma_start3A_38 : memref<65632x2048xf32, #tpu.memory_space<hbm>>) target(%arg9 : memref<32x2048xf32, #tpu.memory_space<vmem>>) offsets(%dma_start3A_35 : memref<32xi32, #tpu.memory_space<vmem>>) semaphore(%arg11 : memref<!tpu.dma_semaphore, #tpu.memory_space<semaphore_mem>>)
    %get3A_39 = arith.constant 32 : index
    %get3A_40 = tpu.vector_load %arg6[%get3A_39] {strides = array<i32>} : memref<256xi32, #tpu.memory_space<vmem>>, vector<16xi32>,
    %get3A_41 = vector.shape_cast %get3A_40 : vector<16xi32> to vector<16xi32>
    %get3A_42 = arith.constant 32 : index
    %get3A_43 = tpu.vector_load %arg7[%get3A_42] {strides = array<i32>} : memref<256xi32, #tpu.memory_space<vmem>>, vector<16xi32>,
    %get3A_44 = vector.shape_cast %get3A_43 : vector<16xi32> to vector<16xi32>
    %mul3A_45 = arith.constant 2051 : i32
    %mul3A_46 = vector.broadcast %mul3A_45 : i32 to vector<16xi32>
    %mul3A_47 = arith.muli %get3A_44, %mul3A_46 : vector<16xi32>
    %add3A_48 = arith.addi %get3A_41, %mul3A_47 : vector<16xi32>
    %swap3A_49 = arith.constant 1 : i32
    %swap3A_50 = arith.index_cast %swap3A_49 : i32 to index
    %swap3A_51 = arith.constant 0 : index
    %swap3A_52 = tpu.vector_load %arg8[%swap3A_50, %swap3A_51] {strides = array<i32>} : memref<9x32xi32, #tpu.memory_space<vmem>>, vector<1x16xi32>,
    %swap3A_53 = vector.shape_cast %swap3A_52 : vector<1x16xi32> to vector<16xi32>
    %swap3A_54 = vector.shape_cast %add3A_48 : vector<16xi32> to vector<1x16xi32>
    tpu.vector_store %arg8[%swap3A_50, %swap3A_51], %swap3A_54 {strides = array<i32>} : memref<9x32xi32, #tpu.memory_space<vmem>>, vector<1x16xi32>,
    %get3A_55 = arith.constant 48 : index
    %get3A_56 = tpu.vector_load %arg6[%get3A_55] {strides = array<i32>} : memref<256xi32, #tpu.memory_space<vmem>>, vector<16xi32>,
    %get3A_57 = vector.shape_cast %get3A_56 : vector<16xi32> to vector<16xi32>
    %get3A_58 = arith.constant 48 : index
    %get3A_59 = tpu.vector_load %arg7[%get3A_58] {strides = array<i32>} : memref<256xi32, #tpu.memory_space<vmem>>, vector<16xi32>,
    %get3A_60 = vector.shape_cast %get3A_59 : vector<16xi32> to vector<16xi32>
    %mul3A_61 = arith.constant 2051 : i32
    %mul3A_62 = vector.broadcast %mul3A_61 : i32 to vector<16xi32>
    %mul3A_63 = arith.muli %get3A_60, %mul3A_62 : vector<16xi32>
    %add3A_64 = arith.addi %get3A_57, %mul3A_63 : vector<16xi32>
    %swap3A_65 = arith.constant 1 : i32
    %swap3A_66 = arith.index_cast %swap3A_65 : i32 to index
    %swap3A_67 = arith.constant 16 : index
    %swap3A_68 = tpu.vector_load %arg8[%swap3A_66, %swap3A_67] {strides = array<i32>} : memref<9x32xi32, #tpu.memory_space<vmem>>, vector<1x16xi32>,
    %swap3A_69 = vector.shape_cast %swap3A_68 : vector<1x16xi32> to vector<16xi32>
    %swap3A_70 = vector.shape_cast %add3A_64 : vector<16xi32> to vector<1x16xi32>
    tpu.vector_store %arg8[%swap3A_66, %swap3A_67], %swap3A_70 {strides = array<i32>} : memref<9x32xi32, #tpu.memory_space<vmem>>, vector<1x16xi32>,
    %dma_start3A_71 = arith.constant 1 : i32
    %dma_start3A_72 = arith.constant 0 : i32
    %dma_start3A_73 = tpu.memref_slice %arg8[%dma_start3A_71, %dma_start3A_72] : memref<9x32xi32, #tpu.memory_space<vmem>> -> memref<1x24xi32, #tpu.memory_space<vmem>>
    %dma_start3A_74 = tpu.memref_squeeze %dma_start3A_73 : memref<1x24xi32, #tpu.memory_space<vmem>> -> memref<24xi32, #tpu.memory_space<vmem>>
    %dma_start3A_75 = arith.constant 0 : i32
    %dma_start3A_76 = arith.constant 0 : i32
    %dma_start3A_77 = tpu.memref_slice %arg4[%dma_start3A_75, %dma_start3A_76] : memref<65632x2048xf32, #tpu.memory_space<hbm>> -> memref<65632x2048xf32, #tpu.memory_space<hbm>>
    tpu.enqueue_indirect_dma source(%dma_start3A_77 : memref<65632x2048xf32, #tpu.memory_space<hbm>>) target(%arg10 : memref<24x2048xf32, #tpu.memory_space<vmem>>) offsets(%dma_start3A_74 : memref<24xi32, #tpu.memory_space<vmem>>) semaphore(%arg12 : memref<!tpu.dma_semaphore, #tpu.memory_space<semaphore_mem>>)
    %get3A_78 = arith.constant 56 : index
    %get3A_79 = tpu.vector_load %arg6[%get3A_78] {strides = array<i32>} : memref<256xi32, #tpu.memory_space<vmem>>, vector<16xi32>,
    %get3A_80 = vector.shape_cast %get3A_79 : vector<16xi32> to vector<16xi32>
    %get3A_81 = arith.constant 56 : index
    %get3A_82 = tpu.vector_load %arg7[%get3A_81] {strides = array<i32>} : memref<256xi32, #tpu.memory_space<vmem>>, vector<16xi32>,
    %get3A_83 = vector.shape_cast %get3A_82 : vector<16xi32> to vector<16xi32>
    %mul3A_84 = arith.constant 2051 : i32
    %mul3A_85 = vector.broadcast %mul3A_84 : i32 to vector<16xi32>
    %mul3A_86 = arith.muli %get3A_83, %mul3A_85 : vector<16xi32>
    %add3A_87 = arith.addi %get3A_80, %mul3A_86 : vector<16xi32>
    %swap3A_88 = arith.constant 2 : i32
    %swap3A_89 = arith.index_cast %swap3A_88 : i32 to index
    %swap3A_90 = arith.constant 0 : index
    %swap3A_91 = tpu.vector_load %arg8[%swap3A_89, %swap3A_90] {strides = array<i32>} : memref<9x32xi32, #tpu.memory_space<vmem>>, vector<1x16xi32>,
    %swap3A_92 = vector.shape_cast %swap3A_91 : vector<1x16xi32> to vector<16xi32>
    %swap3A_93 = vector.shape_cast %add3A_87 : vector<16xi32> to vector<1x16xi32>
    tpu.vector_store %arg8[%swap3A_89, %swap3A_90], %swap3A_93 {strides = array<i32>} : memref<9x32xi32, #tpu.memory_space<vmem>>, vector<1x16xi32>,
    %get3A_94 = arith.constant 72 : index
    %get3A_95 = tpu.vector_load %arg6[%get3A_94] {strides = array<i32>} : memref<256xi32, #tpu.memory_space<vmem>>, vector<16xi32>,
    %get3A_96 = vector.shape_cast %get3A_95 : vector<16xi32> to vector<16xi32>
    %get3A_97 = arith.constant 72 : index
    %get3A_98 = tpu.vector_load %arg7[%get3A_97] {strides = array<i32>} : memref<256xi32, #tpu.memory_space<vmem>>, vector<16xi32>,
    %get3A_99 = vector.shape_cast %get3A_98 : vector<16xi32> to vector<16xi32>
    %mul3A_100 = arith.constant 2051 : i32
    %mul3A_101 = vector.broadcast %mul3A_100 : i32 to vector<16xi32>
    %mul3A_102 = arith.muli %get3A_99, %mul3A_101 : vector<16xi32>
    %add3A_103 = arith.addi %get3A_96, %mul3A_102 : vector<16xi32>
    %swap3A_104 = arith.constant 2 : i32
    %swap3A_105 = arith.index_cast %swap3A_104 : i32 to index
    %swap3A_106 = arith.constant 16 : index
    %swap3A_107 = tpu.vector_load %arg8[%swap3A_105, %swap3A_106] {strides = array<i32>} : memref<9x32xi32, #tpu.memory_space<vmem>>, vector<1x16xi32>,
    %swap3A_108 = vector.shape_cast %swap3A_107 : vector<1x16xi32> to vector<16xi32>
    %swap3A_109 = vector.shape_cast %add3A_103 : vector<16xi32> to vector<1x16xi32>
    tpu.vector_store %arg8[%swap3A_105, %swap3A_106], %swap3A_109 {strides = array<i32>} : memref<9x32xi32, #tpu.memory_space<vmem>>, vector<1x16xi32>,
    %get3A_110 = arith.constant 88 : index
    %get3A_111 = tpu.vector_load %arg6[%get3A_110] {strides = array<i32>} : memref<256xi32, #tpu.memory_space<vmem>>, vector<16xi32>,
    %get3A_112 = vector.shape_cast %get3A_111 : vector<16xi32> to vector<16xi32>
    %get3A_113 = arith.constant 88 : index
    %get3A_114 = tpu.vector_load %arg7[%get3A_113] {strides = array<i32>} : memref<256xi32, #tpu.memory_space<vmem>>, vector<16xi32>,
    %get3A_115 = vector.shape_cast %get3A_114 : vector<16xi32> to vector<16xi32>
    %mul3A_116 = arith.constant 2051 : i32
    %mul3A_117 = vector.broadcast %mul3A_116 : i32 to vector<16xi32>
    %mul3A_118 = arith.muli %get3A_115, %mul3A_117 : vector<16xi32>
    %add3A_119 = arith.addi %get3A_112, %mul3A_118 : vector<16xi32>
    %swap3A_120 = arith.constant 3 : i32
    %swap3A_121 = arith.index_cast %swap3A_120 : i32 to index
    %swap3A_122 = arith.constant 0 : index
    %swap3A_123 = tpu.vector_load %arg8[%swap3A_121, %swap3A_122] {strides = array<i32>} : memref<9x32xi32, #tpu.memory_space<vmem>>, vector<1x16xi32>,
    %swap3A_124 = vector.shape_cast %swap3A_123 : vector<1x16xi32> to vector<16xi32>
    %swap3A_125 = vector.shape_cast %add3A_119 : vector<16xi32> to vector<1x16xi32>
    tpu.vector_store %arg8[%swap3A_121, %swap3A_122], %swap3A_125 {strides = array<i32>} : memref<9x32xi32, #tpu.memory_space<vmem>>, vector<1x16xi32>,
    %get3A_126 = arith.constant 104 : index
    %get3A_127 = tpu.vector_load %arg6[%get3A_126] {strides = array<i32>} : memref<256xi32, #tpu.memory_space<vmem>>, vector<16xi32>,
    %get3A_128 = vector.shape_cast %get3A_127 : vector<16xi32> to vector<16xi32>
    %get3A_129 = arith.constant 104 : index
    %get3A_130 = tpu.vector_load %arg7[%get3A_129] {strides = array<i32>} : memref<256xi32, #tpu.memory_space<vmem>>, vector<16xi32>,
    %get3A_131 = vector.shape_cast %get3A_130 : vector<16xi32> to vector<16xi32>
    %mul3A_132 = arith.constant 2051 : i32
    %mul3A_133 = vector.broadcast %mul3A_132 : i32 to vector<16xi32>
    %mul3A_134 = arith.muli %get3A_131, %mul3A_133 : vector<16xi32>
    %add3A_135 = arith.addi %get3A_128, %mul3A_134 : vector<16xi32>
    %swap3A_136 = arith.constant 3 : i32
    %swap3A_137 = arith.index_cast %swap3A_136 : i32 to index
    %swap3A_138 = arith.constant 16 : index
    %swap3A_139 = tpu.vector_load %arg8[%swap3A_137, %swap3A_138] {strides = array<i32>} : memref<9x32xi32, #tpu.memory_space<vmem>>, vector<1x16xi32>,
    %swap3A_140 = vector.shape_cast %swap3A_139 : vector<1x16xi32> to vector<16xi32>
    %swap3A_141 = vector.shape_cast %add3A_135 : vector<16xi32> to vector<1x16xi32>
    tpu.vector_store %arg8[%swap3A_137, %swap3A_138], %swap3A_141 {strides = array<i32>} : memref<9x32xi32, #tpu.memory_space<vmem>>, vector<1x16xi32>,
    %get3A_142 = arith.constant 112 : index
    %get3A_143 = tpu.vector_load %arg6[%get3A_142] {strides = array<i32>} : memref<256xi32, #tpu.memory_space<vmem>>, vector<16xi32>,
    %get3A_144 = vector.shape_cast %get3A_143 : vector<16xi32> to vector<16xi32>
    %get3A_145 = arith.constant 112 : index
    %get3A_146 = tpu.vector_load %arg7[%get3A_145] {strides = array<i32>} : memref<256xi32, #tpu.memory_space<vmem>>, vector<16xi32>,
    %get3A_147 = vector.shape_cast %get3A_146 : vector<16xi32> to vector<16xi32>
    %mul3A_148 = arith.constant 2051 : i32
    %mul3A_149 = vector.broadcast %mul3A_148 : i32 to vector<16xi32>
    %mul3A_150 = arith.muli %get3A_147, %mul3A_149 : vector<16xi32>
    %add3A_151 = arith.addi %get3A_144, %mul3A_150 : vector<16xi32>
    %swap3A_152 = arith.constant 4 : i32
    %swap3A_153 = arith.index_cast %swap3A_152 : i32 to index
    %swap3A_154 = arith.constant 0 : index
    %swap3A_155 = tpu.vector_load %arg8[%swap3A_153, %swap3A_154] {strides = array<i32>} : memref<9x32xi32, #tpu.memory_space<vmem>>, vector<1x16xi32>,
    %swap3A_156 = vector.shape_cast %swap3A_155 : vector<1x16xi32> to vector<16xi32>
    %swap3A_157 = vector.shape_cast %add3A_151 : vector<16xi32> to vector<1x16xi32>
    tpu.vector_store %arg8[%swap3A_153, %swap3A_154], %swap3A_157 {strides = array<i32>} : memref<9x32xi32, #tpu.memory_space<vmem>>, vector<1x16xi32>,
    %get3A_158 = arith.constant 128 : index
    %get3A_159 = tpu.vector_load %arg6[%get3A_158] {strides = array<i32>} : memref<256xi32, #tpu.memory_space<vmem>>, vector<16xi32>,
    %get3A_160 = vector.shape_cast %get3A_159 : vector<16xi32> to vector<16xi32>
    %get3A_161 = arith.constant 128 : index
    %get3A_162 = tpu.vector_load %arg7[%get3A_161] {strides = array<i32>} : memref<256xi32, #tpu.memory_space<vmem>>, vector<16xi32>,
    %get3A_163 = vector.shape_cast %get3A_162 : vector<16xi32> to vector<16xi32>
    %mul3A_164 = arith.constant 2051 : i32
    %mul3A_165 = vector.broadcast %mul3A_164 : i32 to vector<16xi32>
    %mul3A_166 = arith.muli %get3A_163, %mul3A_165 : vector<16xi32>
    %add3A_167 = arith.addi %get3A_160, %mul3A_166 : vector<16xi32>
    %swap3A_168 = arith.constant 4 : i32
    %swap3A_169 = arith.index_cast %swap3A_168 : i32 to index
    %swap3A_170 = arith.constant 16 : index
    %swap3A_171 = tpu.vector_load %arg8[%swap3A_169, %swap3A_170] {strides = array<i32>} : memref<9x32xi32, #tpu.memory_space<vmem>>, vector<1x16xi32>,
    %swap3A_172 = vector.shape_cast %swap3A_171 : vector<1x16xi32> to vector<16xi32>
    %swap3A_173 = vector.shape_cast %add3A_167 : vector<16xi32> to vector<1x16xi32>
    tpu.vector_store %arg8[%swap3A_169, %swap3A_170], %swap3A_173 {strides = array<i32>} : memref<9x32xi32, #tpu.memory_space<vmem>>, vector<1x16xi32>,
    %get3A_174 = arith.constant 144 : index
    %get3A_175 = tpu.vector_load %arg6[%get3A_174] {strides = array<i32>} : memref<256xi32, #tpu.memory_space<vmem>>, vector<16xi32>,
    %get3A_176 = vector.shape_cast %get3A_175 : vector<16xi32> to vector<16xi32>
    %get3A_177 = arith.constant 144 : index
    %get3A_178 = tpu.vector_load %arg7[%get3A_177] {strides = array<i32>} : memref<256xi32, #tpu.memory_space<vmem>>, vector<16xi32>,
    %get3A_179 = vector.shape_cast %get3A_178 : vector<16xi32> to vector<16xi32>
    %mul3A_180 = arith.constant 2051 : i32
    %mul3A_181 = vector.broadcast %mul3A_180 : i32 to vector<16xi32>
    %mul3A_182 = arith.muli %get3A_179, %mul3A_181 : vector<16xi32>
    %add3A_183 = arith.addi %get3A_176, %mul3A_182 : vector<16xi32>
    %swap3A_184 = arith.constant 5 : i32
    %swap3A_185 = arith.index_cast %swap3A_184 : i32 to index
    %swap3A_186 = arith.constant 0 : index
    %swap3A_187 = tpu.vector_load %arg8[%swap3A_185, %swap3A_186] {strides = array<i32>} : memref<9x32xi32, #tpu.memory_space<vmem>>, vector<1x16xi32>,
    %swap3A_188 = vector.shape_cast %swap3A_187 : vector<1x16xi32> to vector<16xi32>
    %swap3A_189 = vector.shape_cast %add3A_183 : vector<16xi32> to vector<1x16xi32>
    tpu.vector_store %arg8[%swap3A_185, %swap3A_186], %swap3A_189 {strides = array<i32>} : memref<9x32xi32, #tpu.memory_space<vmem>>, vector<1x16xi32>,
    %get3A_190 = arith.constant 160 : index
    %get3A_191 = tpu.vector_load %arg6[%get3A_190] {strides = array<i32>} : memref<256xi32, #tpu.memory_space<vmem>>, vector<16xi32>,
    %get3A_192 = vector.shape_cast %get3A_191 : vector<16xi32> to vector<16xi32>
    %get3A_193 = arith.constant 160 : index
    %get3A_194 = tpu.vector_load %arg7[%get3A_193] {strides = array<i32>} : memref<256xi32, #tpu.memory_space<vmem>>, vector<16xi32>,
    %get3A_195 = vector.shape_cast %get3A_194 : vector<16xi32> to vector<16xi32>
    %mul3A_196 = arith.constant 2051 : i32
    %mul3A_197 = vector.broadcast %mul3A_196 : i32 to vector<16xi32>
    %mul3A_198 = arith.muli %get3A_195, %mul3A_197 : vector<16xi32>
    %add3A_199 = arith.addi %get3A_192, %mul3A_198 : vector<16xi32>
    %swap3A_200 = arith.constant 5 : i32
    %swap3A_201 = arith.index_cast %swap3A_200 : i32 to index
    %swap3A_202 = arith.constant 16 : index
    %swap3A_203 = tpu.vector_load %arg8[%swap3A_201, %swap3A_202] {strides = array<i32>} : memref<9x32xi32, #tpu.memory_space<vmem>>, vector<1x16xi32>,
    %swap3A_204 = vector.shape_cast %swap3A_203 : vector<1x16xi32> to vector<16xi32>
    %swap3A_205 = vector.shape_cast %add3A_199 : vector<16xi32> to vector<1x16xi32>
    tpu.vector_store %arg8[%swap3A_201, %swap3A_202], %swap3A_205 {strides = array<i32>} : memref<9x32xi32, #tpu.memory_space<vmem>>, vector<1x16xi32>,
    %get3A_206 = arith.constant 168 : index
    %get3A_207 = tpu.vector_load %arg6[%get3A_206] {strides = array<i32>} : memref<256xi32, #tpu.memory_space<vmem>>, vector<16xi32>,
    %get3A_208 = vector.shape_cast %get3A_207 : vector<16xi32> to vector<16xi32>
    %get3A_209 = arith.constant 168 : index
    %get3A_210 = tpu.vector_load %arg7[%get3A_209] {strides = array<i32>} : memref<256xi32, #tpu.memory_space<vmem>>, vector<16xi32>,
    %get3A_211 = vector.shape_cast %get3A_210 : vector<16xi32> to vector<16xi32>
    %mul3A_212 = arith.constant 2051 : i32
    %mul3A_213 = vector.broadcast %mul3A_212 : i32 to vector<16xi32>
    %mul3A_214 = arith.muli %get3A_211, %mul3A_213 : vector<16xi32>
    %add3A_215 = arith.addi %get3A_208, %mul3A_214 : vector<16xi32>
    %swap3A_216 = arith.constant 6 : i32
    %swap3A_217 = arith.index_cast %swap3A_216 : i32 to index
    %swap3A_218 = arith.constant 0 : index
    %swap3A_219 = tpu.vector_load %arg8[%swap3A_217, %swap3A_218] {strides = array<i32>} : memref<9x32xi32, #tpu.memory_space<vmem>>, vector<1x16xi32>,
    %swap3A_220 = vector.shape_cast %swap3A_219 : vector<1x16xi32> to vector<16xi32>
    %swap3A_221 = vector.shape_cast %add3A_215 : vector<16xi32> to vector<1x16xi32>
    tpu.vector_store %arg8[%swap3A_217, %swap3A_218], %swap3A_221 {strides = array<i32>} : memref<9x32xi32, #tpu.memory_space<vmem>>, vector<1x16xi32>,
    %get3A_222 = arith.constant 184 : index
    %get3A_223 = tpu.vector_load %arg6[%get3A_222] {strides = array<i32>} : memref<256xi32, #tpu.memory_space<vmem>>, vector<16xi32>,
    %get3A_224 = vector.shape_cast %get3A_223 : vector<16xi32> to vector<16xi32>
    %get3A_225 = arith.constant 184 : index
    %get3A_226 = tpu.vector_load %arg7[%get3A_225] {strides = array<i32>} : memref<256xi32, #tpu.memory_space<vmem>>, vector<16xi32>,
    %get3A_227 = vector.shape_cast %get3A_226 : vector<16xi32> to vector<16xi32>
    %mul3A_228 = arith.constant 2051 : i32
    %mul3A_229 = vector.broadcast %mul3A_228 : i32 to vector<16xi32>
    %mul3A_230 = arith.muli %get3A_227, %mul3A_229 : vector<16xi32>
    %add3A_231 = arith.addi %get3A_224, %mul3A_230 : vector<16xi32>
    %swap3A_232 = arith.constant 6 : i32
    %swap3A_233 = arith.index_cast %swap3A_232 : i32 to index
    %swap3A_234 = arith.constant 16 : index
    %swap3A_235 = tpu.vector_load %arg8[%swap3A_233, %swap3A_234] {strides = array<i32>} : memref<9x32xi32, #tpu.memory_space<vmem>>, vector<1x16xi32>,
    %swap3A_236 = vector.shape_cast %swap3A_235 : vector<1x16xi32> to vector<16xi32>
    %swap3A_237 = vector.shape_cast %add3A_231 : vector<16xi32> to vector<1x16xi32>
    tpu.vector_store %arg8[%swap3A_233, %swap3A_234], %swap3A_237 {strides = array<i32>} : memref<9x32xi32, #tpu.memory_space<vmem>>, vector<1x16xi32>,
    %get3A_238 = arith.constant 200 : index
    %get3A_239 = tpu.vector_load %arg6[%get3A_238] {strides = array<i32>} : memref<256xi32, #tpu.memory_space<vmem>>, vector<16xi32>,
    %get3A_240 = vector.shape_cast %get3A_239 : vector<16xi32> to vector<16xi32>
    %get3A_241 = arith.constant 200 : index
    %get3A_242 = tpu.vector_load %arg7[%get3A_241] {strides = array<i32>} : memref<256xi32, #tpu.memory_space<vmem>>, vector<16xi32>,
    %get3A_243 = vector.shape_cast %get3A_242 : vector<16xi32> to vector<16xi32>
    %mul3A_244 = arith.constant 2051 : i32
    %mul3A_245 = vector.broadcast %mul3A_244 : i32 to vector<16xi32>
    %mul3A_246 = arith.muli %get3A_243, %mul3A_245 : vector<16xi32>
    %add3A_247 = arith.addi %get3A_240, %mul3A_246 : vector<16xi32>
    %swap3A_248 = arith.constant 7 : i32
    %swap3A_249 = arith.index_cast %swap3A_248 : i32 to index
    %swap3A_250 = arith.constant 0 : index
    %swap3A_251 = tpu.vector_load %arg8[%swap3A_249, %swap3A_250] {strides = array<i32>} : memref<9x32xi32, #tpu.memory_space<vmem>>, vector<1x16xi32>,
    %swap3A_252 = vector.shape_cast %swap3A_251 : vector<1x16xi32> to vector<16xi32>
    %swap3A_253 = vector.shape_cast %add3A_247 : vector<16xi32> to vector<1x16xi32>
    tpu.vector_store %arg8[%swap3A_249, %swap3A_250], %swap3A_253 {strides = array<i32>} : memref<9x32xi32, #tpu.memory_space<vmem>>, vector<1x16xi32>,
    %get3A_254 = arith.constant 216 : index
    %get3A_255 = tpu.vector_load %arg6[%get3A_254] {strides = array<i32>} : memref<256xi32, #tpu.memory_space<vmem>>, vector<16xi32>,
    %get3A_256 = vector.shape_cast %get3A_255 : vector<16xi32> to vector<16xi32>
    %get3A_257 = arith.constant 216 : index
    %get3A_258 = tpu.vector_load %arg7[%get3A_257] {strides = array<i32>} : memref<256xi32, #tpu.memory_space<vmem>>, vector<16xi32>,
    %get3A_259 = vector.shape_cast %get3A_258 : vector<16xi32> to vector<16xi32>
    %mul3A_260 = arith.constant 2051 : i32
    %mul3A_261 = vector.broadcast %mul3A_260 : i32 to vector<16xi32>
    %mul3A_262 = arith.muli %get3A_259, %mul3A_261 : vector<16xi32>
    %add3A_263 = arith.addi %get3A_256, %mul3A_262 : vector<16xi32>
    %swap3A_264 = arith.constant 7 : i32
    %swap3A_265 = arith.index_cast %swap3A_264 : i32 to index
    %swap3A_266 = arith.constant 16 : index
    %swap3A_267 = tpu.vector_load %arg8[%swap3A_265, %swap3A_266] {strides = array<i32>} : memref<9x32xi32, #tpu.memory_space<vmem>>, vector<1x16xi32>,
    %swap3A_268 = vector.shape_cast %swap3A_267 : vector<1x16xi32> to vector<16xi32>
    %swap3A_269 = vector.shape_cast %add3A_263 : vector<16xi32> to vector<1x16xi32>
    tpu.vector_store %arg8[%swap3A_265, %swap3A_266], %swap3A_269 {strides = array<i32>} : memref<9x32xi32, #tpu.memory_space<vmem>>, vector<1x16xi32>,
    %get3A_270 = arith.constant 224 : index
    %get3A_271 = tpu.vector_load %arg6[%get3A_270] {strides = array<i32>} : memref<256xi32, #tpu.memory_space<vmem>>, vector<16xi32>,
    %get3A_272 = vector.shape_cast %get3A_271 : vector<16xi32> to vector<16xi32>
    %get3A_273 = arith.constant 224 : index
    %get3A_274 = tpu.vector_load %arg7[%get3A_273] {strides = array<i32>} : memref<256xi32, #tpu.memory_space<vmem>>, vector<16xi32>,
    %get3A_275 = vector.shape_cast %get3A_274 : vector<16xi32> to vector<16xi32>
    %mul3A_276 = arith.constant 2051 : i32
    %mul3A_277 = vector.broadcast %mul3A_276 : i32 to vector<16xi32>
    %mul3A_278 = arith.muli %get3A_275, %mul3A_277 : vector<16xi32>
    %add3A_279 = arith.addi %get3A_272, %mul3A_278 : vector<16xi32>
    %swap3A_280 = arith.constant 8 : i32
    %swap3A_281 = arith.index_cast %swap3A_280 : i32 to index
    %swap3A_282 = arith.constant 0 : index
    %swap3A_283 = tpu.vector_load %arg8[%swap3A_281, %swap3A_282] {strides = array<i32>} : memref<9x32xi32, #tpu.memory_space<vmem>>, vector<1x16xi32>,
    %swap3A_284 = vector.shape_cast %swap3A_283 : vector<1x16xi32> to vector<16xi32>
    %swap3A_285 = vector.shape_cast %add3A_279 : vector<16xi32> to vector<1x16xi32>
    tpu.vector_store %arg8[%swap3A_281, %swap3A_282], %swap3A_285 {strides = array<i32>} : memref<9x32xi32, #tpu.memory_space<vmem>>, vector<1x16xi32>,
    %get3A_286 = arith.constant 240 : index
    %get3A_287 = tpu.vector_load %arg6[%get3A_286] {strides = array<i32>} : memref<256xi32, #tpu.memory_space<vmem>>, vector<16xi32>,
    %get3A_288 = vector.shape_cast %get3A_287 : vector<16xi32> to vector<16xi32>
    %get3A_289 = arith.constant 240 : index
    %get3A_290 = tpu.vector_load %arg7[%get3A_289] {strides = array<i32>} : memref<256xi32, #tpu.memory_space<vmem>>, vector<16xi32>,
    %get3A_291 = vector.shape_cast %get3A_290 : vector<16xi32> to vector<16xi32>
    %mul3A_292 = arith.constant 2051 : i32
    %mul3A_293 = vector.broadcast %mul3A_292 : i32 to vector<16xi32>
    %mul3A_294 = arith.muli %get3A_291, %mul3A_293 : vector<16xi32>
    %add3A_295 = arith.addi %get3A_288, %mul3A_294 : vector<16xi32>
    %swap3A_296 = arith.constant 8 : i32
    %swap3A_297 = arith.index_cast %swap3A_296 : i32 to index
    %swap3A_298 = arith.constant 16 : index
    %swap3A_299 = tpu.vector_load %arg8[%swap3A_297, %swap3A_298] {strides = array<i32>} : memref<9x32xi32, #tpu.memory_space<vmem>>, vector<1x16xi32>,
    %swap3A_300 = vector.shape_cast %swap3A_299 : vector<1x16xi32> to vector<16xi32>
    %swap3A_301 = vector.shape_cast %add3A_295 : vector<16xi32> to vector<1x16xi32>
    tpu.vector_store %arg8[%swap3A_297, %swap3A_298], %swap3A_301 {strides = array<i32>} : memref<9x32xi32, #tpu.memory_space<vmem>>, vector<1x16xi32>,
    %dma_wait3A = arith.constant 0 : i32
    %dma_wait3A_302 = arith.constant 0 : i32
    %dma_wait3A_303 = tpu.memref_slice %arg8[%dma_wait3A, %dma_wait3A_302] : memref<9x32xi32, #tpu.memory_space<vmem>> -> memref<1x32xi32, #tpu.memory_space<vmem>>
    %dma_wait3A_304 = tpu.memref_squeeze %dma_wait3A_303 : memref<1x32xi32, #tpu.memory_space<vmem>> -> memref<32xi32, #tpu.memory_space<vmem>>
    %dma_wait3A_305 = arith.constant 0 : i32
    %dma_wait3A_306 = arith.constant 0 : i32
    %dma_wait3A_307 = tpu.memref_slice %arg4[%dma_wait3A_305, %dma_wait3A_306] : memref<65632x2048xf32, #tpu.memory_space<hbm>> -> memref<65632x2048xf32, #tpu.memory_space<hbm>>
    tpu.wait_indirect_dma semaphore(%arg11 : memref<!tpu.dma_semaphore, #tpu.memory_space<semaphore_mem>>) src(%dma_wait3A_307 : memref<65632x2048xf32, #tpu.memory_space<hbm>>) dst(%arg9 : memref<32x2048xf32, #tpu.memory_space<vmem>>)
    %add3A_308 = arith.constant 0 : i32
    %add3A_309 = arith.addi %mul3A_2, %add3A_308 : i32
    %dma_start3A_310 = arith.constant 0 : i32
    %dma_start3A_311 = tpu.memref_slice %arg5[%add3A_309, %dma_start3A_310] : memref<8192x2048xf32, #tpu.memory_space<hbm>> -> memref<32x2048xf32, #tpu.memory_space<hbm>>
    %dma_start3A_312 = arith.constant 0 : i32
    %dma_start3A_313 = tpu.memref_slice %arg5[%add3A_309, %dma_start3A_312] : memref<8192x2048xf32, #tpu.memory_space<hbm>> -> memref<32x2048xf32, #tpu.memory_space<hbm>>
    tpu.enqueue_dma source(%arg9 : memref<32x2048xf32, #tpu.memory_space<vmem>>) target(%dma_start3A_313 : memref<32x2048xf32, #tpu.memory_space<hbm>>) target_semaphore(%arg13 : memref<!tpu.dma_semaphore, #tpu.memory_space<semaphore_mem>>)
    %dma_wait3A_314 = arith.constant 0 : i32
    %dma_wait3A_315 = tpu.memref_slice %arg5[%add3A_309, %dma_wait3A_314] : memref<8192x2048xf32, #tpu.memory_space<hbm>> -> memref<32x2048xf32, #tpu.memory_space<hbm>>
    %dma_wait3A_316 = arith.constant 0 : i32
    %dma_wait3A_317 = tpu.memref_slice %arg5[%add3A_309, %dma_wait3A_316] : memref<8192x2048xf32, #tpu.memory_space<hbm>> -> memref<32x2048xf32, #tpu.memory_space<hbm>>
    tpu.wait_dma2 semaphore(%arg13 : memref<!tpu.dma_semaphore, #tpu.memory_space<semaphore_mem>>) src(%arg9 : memref<32x2048xf32, #tpu.memory_space<vmem>>) dst(%dma_wait3A_317 : memref<32x2048xf32, #tpu.memory_space<hbm>>)
    %dma_start3A_318 = arith.constant 2 : i32
    %dma_start3A_319 = arith.constant 0 : i32
    %dma_start3A_320 = tpu.memref_slice %arg8[%dma_start3A_318, %dma_start3A_319] : memref<9x32xi32, #tpu.memory_space<vmem>> -> memref<1x32xi32, #tpu.memory_space<vmem>>
    %dma_start3A_321 = tpu.memref_squeeze %dma_start3A_320 : memref<1x32xi32, #tpu.memory_space<vmem>> -> memref<32xi32, #tpu.memory_space<vmem>>
    %dma_start3A_322 = arith.constant 0 : i32
    %dma_start3A_323 = arith.constant 0 : i32
    %dma_start3A_324 = tpu.memref_slice %arg4[%dma_start3A_322, %dma_start3A_323] : memref<65632x2048xf32, #tpu.memory_space<hbm>> -> memref<65632x2048xf32, #tpu.memory_space<hbm>>
    tpu.enqueue_indirect_dma source(%dma_start3A_324 : memref<65632x2048xf32, #tpu.memory_space<hbm>>) target(%arg9 : memref<32x2048xf32, #tpu.memory_space<vmem>>) offsets(%dma_start3A_321 : memref<32xi32, #tpu.memory_space<vmem>>) semaphore(%arg11 : memref<!tpu.dma_semaphore, #tpu.memory_space<semaphore_mem>>)
    %dma_wait3A_325 = arith.constant 1 : i32
    %dma_wait3A_326 = arith.constant 0 : i32
    %dma_wait3A_327 = tpu.memref_slice %arg8[%dma_wait3A_325, %dma_wait3A_326] : memref<9x32xi32, #tpu.memory_space<vmem>> -> memref<1x24xi32, #tpu.memory_space<vmem>>
    %dma_wait3A_328 = tpu.memref_squeeze %dma_wait3A_327 : memref<1x24xi32, #tpu.memory_space<vmem>> -> memref<24xi32, #tpu.memory_space<vmem>>
    %dma_wait3A_329 = arith.constant 0 : i32
    %dma_wait3A_330 = arith.constant 0 : i32
    %dma_wait3A_331 = tpu.memref_slice %arg4[%dma_wait3A_329, %dma_wait3A_330] : memref<65632x2048xf32, #tpu.memory_space<hbm>> -> memref<65632x2048xf32, #tpu.memory_space<hbm>>
    tpu.wait_indirect_dma semaphore(%arg12 : memref<!tpu.dma_semaphore, #tpu.memory_space<semaphore_mem>>) src(%dma_wait3A_331 : memref<65632x2048xf32, #tpu.memory_space<hbm>>) dst(%arg10 : memref<24x2048xf32, #tpu.memory_space<vmem>>)
    %add3A_332 = arith.constant 32 : i32
    %add3A_333 = arith.addi %mul3A_2, %add3A_332 : i32
    %dma_start3A_334 = arith.constant 0 : i32
    %dma_start3A_335 = tpu.memref_slice %arg5[%add3A_333, %dma_start3A_334] : memref<8192x2048xf32, #tpu.memory_space<hbm>> -> memref<24x2048xf32, #tpu.memory_space<hbm>>
    %dma_start3A_336 = arith.constant 0 : i32
    %dma_start3A_337 = tpu.memref_slice %arg5[%add3A_333, %dma_start3A_336] : memref<8192x2048xf32, #tpu.memory_space<hbm>> -> memref<24x2048xf32, #tpu.memory_space<hbm>>
    tpu.enqueue_dma source(%arg10 : memref<24x2048xf32, #tpu.memory_space<vmem>>) target(%dma_start3A_337 : memref<24x2048xf32, #tpu.memory_space<hbm>>) target_semaphore(%arg14 : memref<!tpu.dma_semaphore, #tpu.memory_space<semaphore_mem>>)
    %dma_wait3A_338 = arith.constant 0 : i32
    %dma_wait3A_339 = tpu.memref_slice %arg5[%add3A_333, %dma_wait3A_338] : memref<8192x2048xf32, #tpu.memory_space<hbm>> -> memref<24x2048xf32, #tpu.memory_space<hbm>>
    %dma_wait3A_340 = arith.constant 0 : i32
    %dma_wait3A_341 = tpu.memref_slice %arg5[%add3A_333, %dma_wait3A_340] : memref<8192x2048xf32, #tpu.memory_space<hbm>> -> memref<24x2048xf32, #tpu.memory_space<hbm>>
    tpu.wait_dma2 semaphore(%arg14 : memref<!tpu.dma_semaphore, #tpu.memory_space<semaphore_mem>>) src(%arg10 : memref<24x2048xf32, #tpu.memory_space<vmem>>) dst(%dma_wait3A_341 : memref<24x2048xf32, #tpu.memory_space<hbm>>)
    %dma_start3A_342 = arith.constant 3 : i32
    %dma_start3A_343 = arith.constant 0 : i32
    %dma_start3A_344 = tpu.memref_slice %arg8[%dma_start3A_342, %dma_start3A_343] : memref<9x32xi32, #tpu.memory_space<vmem>> -> memref<1x24xi32, #tpu.memory_space<vmem>>
    %dma_start3A_345 = tpu.memref_squeeze %dma_start3A_344 : memref<1x24xi32, #tpu.memory_space<vmem>> -> memref<24xi32, #tpu.memory_space<vmem>>
    %dma_start3A_346 = arith.constant 0 : i32
    %dma_start3A_347 = arith.constant 0 : i32
    %dma_start3A_348 = tpu.memref_slice %arg4[%dma_start3A_346, %dma_start3A_347] : memref<65632x2048xf32, #tpu.memory_space<hbm>> -> memref<65632x2048xf32, #tpu.memory_space<hbm>>
    tpu.enqueue_indirect_dma source(%dma_start3A_348 : memref<65632x2048xf32, #tpu.memory_space<hbm>>) target(%arg10 : memref<24x2048xf32, #tpu.memory_space<vmem>>) offsets(%dma_start3A_345 : memref<24xi32, #tpu.memory_space<vmem>>) semaphore(%arg12 : memref<!tpu.dma_semaphore, #tpu.memory_space<semaphore_mem>>)
    %dma_wait3A_349 = arith.constant 2 : i32
    %dma_wait3A_350 = arith.constant 0 : i32
    %dma_wait3A_351 = tpu.memref_slice %arg8[%dma_wait3A_349, %dma_wait3A_350] : memref<9x32xi32, #tpu.memory_space<vmem>> -> memref<1x32xi32, #tpu.memory_space<vmem>>
    %dma_wait3A_352 = tpu.memref_squeeze %dma_wait3A_351 : memref<1x32xi32, #tpu.memory_space<vmem>> -> memref<32xi32, #tpu.memory_space<vmem>>
    %dma_wait3A_353 = arith.constant 0 : i32
    %dma_wait3A_354 = arith.constant 0 : i32
    %dma_wait3A_355 = tpu.memref_slice %arg4[%dma_wait3A_353, %dma_wait3A_354] : memref<65632x2048xf32, #tpu.memory_space<hbm>> -> memref<65632x2048xf32, #tpu.memory_space<hbm>>
    tpu.wait_indirect_dma semaphore(%arg11 : memref<!tpu.dma_semaphore, #tpu.memory_space<semaphore_mem>>) src(%dma_wait3A_355 : memref<65632x2048xf32, #tpu.memory_space<hbm>>) dst(%arg9 : memref<32x2048xf32, #tpu.memory_space<vmem>>)
    %add3A_356 = arith.constant 56 : i32
    %add3A_357 = arith.addi %mul3A_2, %add3A_356 : i32
    %dma_start3A_358 = arith.constant 0 : i32
    %dma_start3A_359 = tpu.memref_slice %arg5[%add3A_357, %dma_start3A_358] : memref<8192x2048xf32, #tpu.memory_space<hbm>> -> memref<32x2048xf32, #tpu.memory_space<hbm>>
    %dma_start3A_360 = arith.constant 0 : i32
    %dma_start3A_361 = tpu.memref_slice %arg5[%add3A_357, %dma_start3A_360] : memref<8192x2048xf32, #tpu.memory_space<hbm>> -> memref<32x2048xf32, #tpu.memory_space<hbm>>
    tpu.enqueue_dma source(%arg9 : memref<32x2048xf32, #tpu.memory_space<vmem>>) target(%dma_start3A_361 : memref<32x2048xf32, #tpu.memory_space<hbm>>) target_semaphore(%arg13 : memref<!tpu.dma_semaphore, #tpu.memory_space<semaphore_mem>>)
    %dma_wait3A_362 = arith.constant 0 : i32
    %dma_wait3A_363 = tpu.memref_slice %arg5[%add3A_357, %dma_wait3A_362] : memref<8192x2048xf32, #tpu.memory_space<hbm>> -> memref<32x2048xf32, #tpu.memory_space<hbm>>
    %dma_wait3A_364 = arith.constant 0 : i32
    %dma_wait3A_365 = tpu.memref_slice %arg5[%add3A_357, %dma_wait3A_364] : memref<8192x2048xf32, #tpu.memory_space<hbm>> -> memref<32x2048xf32, #tpu.memory_space<hbm>>
    tpu.wait_dma2 semaphore(%arg13 : memref<!tpu.dma_semaphore, #tpu.memory_space<semaphore_mem>>) src(%arg9 : memref<32x2048xf32, #tpu.memory_space<vmem>>) dst(%dma_wait3A_365 : memref<32x2048xf32, #tpu.memory_space<hbm>>)
    %dma_start3A_366 = arith.constant 4 : i32
    %dma_start3A_367 = arith.constant 0 : i32
    %dma_start3A_368 = tpu.memref_slice %arg8[%dma_start3A_366, %dma_start3A_367] : memref<9x32xi32, #tpu.memory_space<vmem>> -> memref<1x32xi32, #tpu.memory_space<vmem>>
    %dma_start3A_369 = tpu.memref_squeeze %dma_start3A_368 : memref<1x32xi32, #tpu.memory_space<vmem>> -> memref<32xi32, #tpu.memory_space<vmem>>
    %dma_start3A_370 = arith.constant 0 : i32
    %dma_start3A_371 = arith.constant 0 : i32
    %dma_start3A_372 = tpu.memref_slice %arg4[%dma_start3A_370, %dma_start3A_371] : memref<65632x2048xf32, #tpu.memory_space<hbm>> -> memref<65632x2048xf32, #tpu.memory_space<hbm>>
    tpu.enqueue_indirect_dma source(%dma_start3A_372 : memref<65632x2048xf32, #tpu.memory_space<hbm>>) target(%arg9 : memref<32x2048xf32, #tpu.memory_space<vmem>>) offsets(%dma_start3A_369 : memref<32xi32, #tpu.memory_space<vmem>>) semaphore(%arg11 : memref<!tpu.dma_semaphore, #tpu.memory_space<semaphore_mem>>)
    %dma_wait3A_373 = arith.constant 3 : i32
    %dma_wait3A_374 = arith.constant 0 : i32
    %dma_wait3A_375 = tpu.memref_slice %arg8[%dma_wait3A_373, %dma_wait3A_374] : memref<9x32xi32, #tpu.memory_space<vmem>> -> memref<1x24xi32, #tpu.memory_space<vmem>>
    %dma_wait3A_376 = tpu.memref_squeeze %dma_wait3A_375 : memref<1x24xi32, #tpu.memory_space<vmem>> -> memref<24xi32, #tpu.memory_space<vmem>>
    %dma_wait3A_377 = arith.constant 0 : i32
    %dma_wait3A_378 = arith.constant 0 : i32
    %dma_wait3A_379 = tpu.memref_slice %arg4[%dma_wait3A_377, %dma_wait3A_378] : memref<65632x2048xf32, #tpu.memory_space<hbm>> -> memref<65632x2048xf32, #tpu.memory_space<hbm>>
    tpu.wait_indirect_dma semaphore(%arg12 : memref<!tpu.dma_semaphore, #tpu.memory_space<semaphore_mem>>) src(%dma_wait3A_379 : memref<65632x2048xf32, #tpu.memory_space<hbm>>) dst(%arg10 : memref<24x2048xf32, #tpu.memory_space<vmem>>)
    %add3A_380 = arith.constant 88 : i32
    %add3A_381 = arith.addi %mul3A_2, %add3A_380 : i32
    %dma_start3A_382 = arith.constant 0 : i32
    %dma_start3A_383 = tpu.memref_slice %arg5[%add3A_381, %dma_start3A_382] : memref<8192x2048xf32, #tpu.memory_space<hbm>> -> memref<24x2048xf32, #tpu.memory_space<hbm>>
    %dma_start3A_384 = arith.constant 0 : i32
    %dma_start3A_385 = tpu.memref_slice %arg5[%add3A_381, %dma_start3A_384] : memref<8192x2048xf32, #tpu.memory_space<hbm>> -> memref<24x2048xf32, #tpu.memory_space<hbm>>
    tpu.enqueue_dma source(%arg10 : memref<24x2048xf32, #tpu.memory_space<vmem>>) target(%dma_start3A_385 : memref<24x2048xf32, #tpu.memory_space<hbm>>) target_semaphore(%arg14 : memref<!tpu.dma_semaphore, #tpu.memory_space<semaphore_mem>>)
    %dma_wait3A_386 = arith.constant 0 : i32
    %dma_wait3A_387 = tpu.memref_slice %arg5[%add3A_381, %dma_wait3A_386] : memref<8192x2048xf32, #tpu.memory_space<hbm>> -> memref<24x2048xf32, #tpu.memory_space<hbm>>
    %dma_wait3A_388 = arith.constant 0 : i32
    %dma_wait3A_389 = tpu.memref_slice %arg5[%add3A_381, %dma_wait3A_388] : memref<8192x2048xf32, #tpu.memory_space<hbm>> -> memref<24x2048xf32, #tpu.memory_space<hbm>>
    tpu.wait_dma2 semaphore(%arg14 : memref<!tpu.dma_semaphore, #tpu.memory_space<semaphore_mem>>) src(%arg10 : memref<24x2048xf32, #tpu.memory_space<vmem>>) dst(%dma_wait3A_389 : memref<24x2048xf32, #tpu.memory_space<hbm>>)
    %dma_start3A_390 = arith.constant 5 : i32
    %dma_start3A_391 = arith.constant 0 : i32
    %dma_start3A_392 = tpu.memref_slice %arg8[%dma_start3A_390, %dma_start3A_391] : memref<9x32xi32, #tpu.memory_space<vmem>> -> memref<1x24xi32, #tpu.memory_space<vmem>>
    %dma_start3A_393 = tpu.memref_squeeze %dma_start3A_392 : memref<1x24xi32, #tpu.memory_space<vmem>> -> memref<24xi32, #tpu.memory_space<vmem>>
    %dma_start3A_394 = arith.constant 0 : i32
    %dma_start3A_395 = arith.constant 0 : i32
    %dma_start3A_396 = tpu.memref_slice %arg4[%dma_start3A_394, %dma_start3A_395] : memref<65632x2048xf32, #tpu.memory_space<hbm>> -> memref<65632x2048xf32, #tpu.memory_space<hbm>>
    tpu.enqueue_indirect_dma source(%dma_start3A_396 : memref<65632x2048xf32, #tpu.memory_space<hbm>>) target(%arg10 : memref<24x2048xf32, #tpu.memory_space<vmem>>) offsets(%dma_start3A_393 : memref<24xi32, #tpu.memory_space<vmem>>) semaphore(%arg12 : memref<!tpu.dma_semaphore, #tpu.memory_space<semaphore_mem>>)
    %dma_wait3A_397 = arith.constant 4 : i32
    %dma_wait3A_398 = arith.constant 0 : i32
    %dma_wait3A_399 = tpu.memref_slice %arg8[%dma_wait3A_397, %dma_wait3A_398] : memref<9x32xi32, #tpu.memory_space<vmem>> -> memref<1x32xi32, #tpu.memory_space<vmem>>
    %dma_wait3A_400 = tpu.memref_squeeze %dma_wait3A_399 : memref<1x32xi32, #tpu.memory_space<vmem>> -> memref<32xi32, #tpu.memory_space<vmem>>
    %dma_wait3A_401 = arith.constant 0 : i32
    %dma_wait3A_402 = arith.constant 0 : i32
    %dma_wait3A_403 = tpu.memref_slice %arg4[%dma_wait3A_401, %dma_wait3A_402] : memref<65632x2048xf32, #tpu.memory_space<hbm>> -> memref<65632x2048xf32, #tpu.memory_space<hbm>>
    tpu.wait_indirect_dma semaphore(%arg11 : memref<!tpu.dma_semaphore, #tpu.memory_space<semaphore_mem>>) src(%dma_wait3A_403 : memref<65632x2048xf32, #tpu.memory_space<hbm>>) dst(%arg9 : memref<32x2048xf32, #tpu.memory_space<vmem>>)
    %add3A_404 = arith.constant 112 : i32
    %add3A_405 = arith.addi %mul3A_2, %add3A_404 : i32
    %dma_start3A_406 = arith.constant 0 : i32
    %dma_start3A_407 = tpu.memref_slice %arg5[%add3A_405, %dma_start3A_406] : memref<8192x2048xf32, #tpu.memory_space<hbm>> -> memref<32x2048xf32, #tpu.memory_space<hbm>>
    %dma_start3A_408 = arith.constant 0 : i32
    %dma_start3A_409 = tpu.memref_slice %arg5[%add3A_405, %dma_start3A_408] : memref<8192x2048xf32, #tpu.memory_space<hbm>> -> memref<32x2048xf32, #tpu.memory_space<hbm>>
    tpu.enqueue_dma source(%arg9 : memref<32x2048xf32, #tpu.memory_space<vmem>>) target(%dma_start3A_409 : memref<32x2048xf32, #tpu.memory_space<hbm>>) target_semaphore(%arg13 : memref<!tpu.dma_semaphore, #tpu.memory_space<semaphore_mem>>)
    %dma_wait3A_410 = arith.constant 0 : i32
    %dma_wait3A_411 = tpu.memref_slice %arg5[%add3A_405, %dma_wait3A_410] : memref<8192x2048xf32, #tpu.memory_space<hbm>> -> memref<32x2048xf32, #tpu.memory_space<hbm>>
    %dma_wait3A_412 = arith.constant 0 : i32
    %dma_wait3A_413 = tpu.memref_slice %arg5[%add3A_405, %dma_wait3A_412] : memref<8192x2048xf32, #tpu.memory_space<hbm>> -> memref<32x2048xf32, #tpu.memory_space<hbm>>
    tpu.wait_dma2 semaphore(%arg13 : memref<!tpu.dma_semaphore, #tpu.memory_space<semaphore_mem>>) src(%arg9 : memref<32x2048xf32, #tpu.memory_space<vmem>>) dst(%dma_wait3A_413 : memref<32x2048xf32, #tpu.memory_space<hbm>>)
    %dma_start3A_414 = arith.constant 6 : i32
    %dma_start3A_415 = arith.constant 0 : i32
    %dma_start3A_416 = tpu.memref_slice %arg8[%dma_start3A_414, %dma_start3A_415] : memref<9x32xi32, #tpu.memory_space<vmem>> -> memref<1x32xi32, #tpu.memory_space<vmem>>
    %dma_start3A_417 = tpu.memref_squeeze %dma_start3A_416 : memref<1x32xi32, #tpu.memory_space<vmem>> -> memref<32xi32, #tpu.memory_space<vmem>>
    %dma_start3A_418 = arith.constant 0 : i32
    %dma_start3A_419 = arith.constant 0 : i32
    %dma_start3A_420 = tpu.memref_slice %arg4[%dma_start3A_418, %dma_start3A_419] : memref<65632x2048xf32, #tpu.memory_space<hbm>> -> memref<65632x2048xf32, #tpu.memory_space<hbm>>
    tpu.enqueue_indirect_dma source(%dma_start3A_420 : memref<65632x2048xf32, #tpu.memory_space<hbm>>) target(%arg9 : memref<32x2048xf32, #tpu.memory_space<vmem>>) offsets(%dma_start3A_417 : memref<32xi32, #tpu.memory_space<vmem>>) semaphore(%arg11 : memref<!tpu.dma_semaphore, #tpu.memory_space<semaphore_mem>>)
    %dma_wait3A_421 = arith.constant 5 : i32
    %dma_wait3A_422 = arith.constant 0 : i32
    %dma_wait3A_423 = tpu.memref_slice %arg8[%dma_wait3A_421, %dma_wait3A_422] : memref<9x32xi32, #tpu.memory_space<vmem>> -> memref<1x24xi32, #tpu.memory_space<vmem>>
    %dma_wait3A_424 = tpu.memref_squeeze %dma_wait3A_423 : memref<1x24xi32, #tpu.memory_space<vmem>> -> memref<24xi32, #tpu.memory_space<vmem>>
    %dma_wait3A_425 = arith.constant 0 : i32
    %dma_wait3A_426 = arith.constant 0 : i32
    %dma_wait3A_427 = tpu.memref_slice %arg4[%dma_wait3A_425, %dma_wait3A_426] : memref<65632x2048xf32, #tpu.memory_space<hbm>> -> memref<65632x2048xf32, #tpu.memory_space<hbm>>
    tpu.wait_indirect_dma semaphore(%arg12 : memref<!tpu.dma_semaphore, #tpu.memory_space<semaphore_mem>>) src(%dma_wait3A_427 : memref<65632x2048xf32, #tpu.memory_space<hbm>>) dst(%arg10 : memref<24x2048xf32, #tpu.memory_space<vmem>>)
    %add3A_428 = arith.constant 144 : i32
    %add3A_429 = arith.addi %mul3A_2, %add3A_428 : i32
    %dma_start3A_430 = arith.constant 0 : i32
    %dma_start3A_431 = tpu.memref_slice %arg5[%add3A_429, %dma_start3A_430] : memref<8192x2048xf32, #tpu.memory_space<hbm>> -> memref<24x2048xf32, #tpu.memory_space<hbm>>
    %dma_start3A_432 = arith.constant 0 : i32
    %dma_start3A_433 = tpu.memref_slice %arg5[%add3A_429, %dma_start3A_432] : memref<8192x2048xf32, #tpu.memory_space<hbm>> -> memref<24x2048xf32, #tpu.memory_space<hbm>>
    tpu.enqueue_dma source(%arg10 : memref<24x2048xf32, #tpu.memory_space<vmem>>) target(%dma_start3A_433 : memref<24x2048xf32, #tpu.memory_space<hbm>>) target_semaphore(%arg14 : memref<!tpu.dma_semaphore, #tpu.memory_space<semaphore_mem>>)
    %dma_wait3A_434 = arith.constant 0 : i32
    %dma_wait3A_435 = tpu.memref_slice %arg5[%add3A_429, %dma_wait3A_434] : memref<8192x2048xf32, #tpu.memory_space<hbm>> -> memref<24x2048xf32, #tpu.memory_space<hbm>>
    %dma_wait3A_436 = arith.constant 0 : i32
    %dma_wait3A_437 = tpu.memref_slice %arg5[%add3A_429, %dma_wait3A_436] : memref<8192x2048xf32, #tpu.memory_space<hbm>> -> memref<24x2048xf32, #tpu.memory_space<hbm>>
    tpu.wait_dma2 semaphore(%arg14 : memref<!tpu.dma_semaphore, #tpu.memory_space<semaphore_mem>>) src(%arg10 : memref<24x2048xf32, #tpu.memory_space<vmem>>) dst(%dma_wait3A_437 : memref<24x2048xf32, #tpu.memory_space<hbm>>)
    %dma_start3A_438 = arith.constant 7 : i32
    %dma_start3A_439 = arith.constant 0 : i32
    %dma_start3A_440 = tpu.memref_slice %arg8[%dma_start3A_438, %dma_start3A_439] : memref<9x32xi32, #tpu.memory_space<vmem>> -> memref<1x24xi32, #tpu.memory_space<vmem>>
    %dma_start3A_441 = tpu.memref_squeeze %dma_start3A_440 : memref<1x24xi32, #tpu.memory_space<vmem>> -> memref<24xi32, #tpu.memory_space<vmem>>
    %dma_start3A_442 = arith.constant 0 : i32
    %dma_start3A_443 = arith.constant 0 : i32
    %dma_start3A_444 = tpu.memref_slice %arg4[%dma_start3A_442, %dma_start3A_443] : memref<65632x2048xf32, #tpu.memory_space<hbm>> -> memref<65632x2048xf32, #tpu.memory_space<hbm>>
    tpu.enqueue_indirect_dma source(%dma_start3A_444 : memref<65632x2048xf32, #tpu.memory_space<hbm>>) target(%arg10 : memref<24x2048xf32, #tpu.memory_space<vmem>>) offsets(%dma_start3A_441 : memref<24xi32, #tpu.memory_space<vmem>>) semaphore(%arg12 : memref<!tpu.dma_semaphore, #tpu.memory_space<semaphore_mem>>)
    %dma_wait3A_445 = arith.constant 6 : i32
    %dma_wait3A_446 = arith.constant 0 : i32
    %dma_wait3A_447 = tpu.memref_slice %arg8[%dma_wait3A_445, %dma_wait3A_446] : memref<9x32xi32, #tpu.memory_space<vmem>> -> memref<1x32xi32, #tpu.memory_space<vmem>>
    %dma_wait3A_448 = tpu.memref_squeeze %dma_wait3A_447 : memref<1x32xi32, #tpu.memory_space<vmem>> -> memref<32xi32, #tpu.memory_space<vmem>>
    %dma_wait3A_449 = arith.constant 0 : i32
    %dma_wait3A_450 = arith.constant 0 : i32
    %dma_wait3A_451 = tpu.memref_slice %arg4[%dma_wait3A_449, %dma_wait3A_450] : memref<65632x2048xf32, #tpu.memory_space<hbm>> -> memref<65632x2048xf32, #tpu.memory_space<hbm>>
    tpu.wait_indirect_dma semaphore(%arg11 : memref<!tpu.dma_semaphore, #tpu.memory_space<semaphore_mem>>) src(%dma_wait3A_451 : memref<65632x2048xf32, #tpu.memory_space<hbm>>) dst(%arg9 : memref<32x2048xf32, #tpu.memory_space<vmem>>)
    %add3A_452 = arith.constant 168 : i32
    %add3A_453 = arith.addi %mul3A_2, %add3A_452 : i32
    %dma_start3A_454 = arith.constant 0 : i32
    %dma_start3A_455 = tpu.memref_slice %arg5[%add3A_453, %dma_start3A_454] : memref<8192x2048xf32, #tpu.memory_space<hbm>> -> memref<32x2048xf32, #tpu.memory_space<hbm>>
    %dma_start3A_456 = arith.constant 0 : i32
    %dma_start3A_457 = tpu.memref_slice %arg5[%add3A_453, %dma_start3A_456] : memref<8192x2048xf32, #tpu.memory_space<hbm>> -> memref<32x2048xf32, #tpu.memory_space<hbm>>
    tpu.enqueue_dma source(%arg9 : memref<32x2048xf32, #tpu.memory_space<vmem>>) target(%dma_start3A_457 : memref<32x2048xf32, #tpu.memory_space<hbm>>) target_semaphore(%arg13 : memref<!tpu.dma_semaphore, #tpu.memory_space<semaphore_mem>>)
    %dma_wait3A_458 = arith.constant 0 : i32
    %dma_wait3A_459 = tpu.memref_slice %arg5[%add3A_453, %dma_wait3A_458] : memref<8192x2048xf32, #tpu.memory_space<hbm>> -> memref<32x2048xf32, #tpu.memory_space<hbm>>
    %dma_wait3A_460 = arith.constant 0 : i32
    %dma_wait3A_461 = tpu.memref_slice %arg5[%add3A_453, %dma_wait3A_460] : memref<8192x2048xf32, #tpu.memory_space<hbm>> -> memref<32x2048xf32, #tpu.memory_space<hbm>>
    tpu.wait_dma2 semaphore(%arg13 : memref<!tpu.dma_semaphore, #tpu.memory_space<semaphore_mem>>) src(%arg9 : memref<32x2048xf32, #tpu.memory_space<vmem>>) dst(%dma_wait3A_461 : memref<32x2048xf32, #tpu.memory_space<hbm>>)
    %dma_start3A_462 = arith.constant 8 : i32
    %dma_start3A_463 = arith.constant 0 : i32
    %dma_start3A_464 = tpu.memref_slice %arg8[%dma_start3A_462, %dma_start3A_463] : memref<9x32xi32, #tpu.memory_space<vmem>> -> memref<1x32xi32, #tpu.memory_space<vmem>>
    %dma_start3A_465 = tpu.memref_squeeze %dma_start3A_464 : memref<1x32xi32, #tpu.memory_space<vmem>> -> memref<32xi32, #tpu.memory_space<vmem>>
    %dma_start3A_466 = arith.constant 0 : i32
    %dma_start3A_467 = arith.constant 0 : i32
    %dma_start3A_468 = tpu.memref_slice %arg4[%dma_start3A_466, %dma_start3A_467] : memref<65632x2048xf32, #tpu.memory_space<hbm>> -> memref<65632x2048xf32, #tpu.memory_space<hbm>>
    tpu.enqueue_indirect_dma source(%dma_start3A_468 : memref<65632x2048xf32, #tpu.memory_space<hbm>>) target(%arg9 : memref<32x2048xf32, #tpu.memory_space<vmem>>) offsets(%dma_start3A_465 : memref<32xi32, #tpu.memory_space<vmem>>) semaphore(%arg11 : memref<!tpu.dma_semaphore, #tpu.memory_space<semaphore_mem>>)
    %dma_wait3A_469 = arith.constant 7 : i32
    %dma_wait3A_470 = arith.constant 0 : i32
    %dma_wait3A_471 = tpu.memref_slice %arg8[%dma_wait3A_469, %dma_wait3A_470] : memref<9x32xi32, #tpu.memory_space<vmem>> -> memref<1x24xi32, #tpu.memory_space<vmem>>
    %dma_wait3A_472 = tpu.memref_squeeze %dma_wait3A_471 : memref<1x24xi32, #tpu.memory_space<vmem>> -> memref<24xi32, #tpu.memory_space<vmem>>
    %dma_wait3A_473 = arith.constant 0 : i32
    %dma_wait3A_474 = arith.constant 0 : i32
    %dma_wait3A_475 = tpu.memref_slice %arg4[%dma_wait3A_473, %dma_wait3A_474] : memref<65632x2048xf32, #tpu.memory_space<hbm>> -> memref<65632x2048xf32, #tpu.memory_space<hbm>>
    tpu.wait_indirect_dma semaphore(%arg12 : memref<!tpu.dma_semaphore, #tpu.memory_space<semaphore_mem>>) src(%dma_wait3A_475 : memref<65632x2048xf32, #tpu.memory_space<hbm>>) dst(%arg10 : memref<24x2048xf32, #tpu.memory_space<vmem>>)
    %add3A_476 = arith.constant 200 : i32
    %add3A_477 = arith.addi %mul3A_2, %add3A_476 : i32
    %dma_start3A_478 = arith.constant 0 : i32
    %dma_start3A_479 = tpu.memref_slice %arg5[%add3A_477, %dma_start3A_478] : memref<8192x2048xf32, #tpu.memory_space<hbm>> -> memref<24x2048xf32, #tpu.memory_space<hbm>>
    %dma_start3A_480 = arith.constant 0 : i32
    %dma_start3A_481 = tpu.memref_slice %arg5[%add3A_477, %dma_start3A_480] : memref<8192x2048xf32, #tpu.memory_space<hbm>> -> memref<24x2048xf32, #tpu.memory_space<hbm>>
    tpu.enqueue_dma source(%arg10 : memref<24x2048xf32, #tpu.memory_space<vmem>>) target(%dma_start3A_481 : memref<24x2048xf32, #tpu.memory_space<hbm>>) target_semaphore(%arg14 : memref<!tpu.dma_semaphore, #tpu.memory_space<semaphore_mem>>)
    %dma_wait3A_482 = arith.constant 8 : i32
    %dma_wait3A_483 = arith.constant 0 : i32
    %dma_wait3A_484 = tpu.memref_slice %arg8[%dma_wait3A_482, %dma_wait3A_483] : memref<9x32xi32, #tpu.memory_space<vmem>> -> memref<1x32xi32, #tpu.memory_space<vmem>>
    %dma_wait3A_485 = tpu.memref_squeeze %dma_wait3A_484 : memref<1x32xi32, #tpu.memory_space<vmem>> -> memref<32xi32, #tpu.memory_space<vmem>>
    %dma_wait3A_486 = arith.constant 0 : i32
    %dma_wait3A_487 = arith.constant 0 : i32
    %dma_wait3A_488 = tpu.memref_slice %arg4[%dma_wait3A_486, %dma_wait3A_487] : memref<65632x2048xf32, #tpu.memory_space<hbm>> -> memref<65632x2048xf32, #tpu.memory_space<hbm>>
    tpu.wait_indirect_dma semaphore(%arg11 : memref<!tpu.dma_semaphore, #tpu.memory_space<semaphore_mem>>) src(%dma_wait3A_488 : memref<65632x2048xf32, #tpu.memory_space<hbm>>) dst(%arg9 : memref<32x2048xf32, #tpu.memory_space<vmem>>)
    %add3A_489 = arith.constant 224 : i32
    %add3A_490 = arith.addi %mul3A_2, %add3A_489 : i32
    %dma_start3A_491 = arith.constant 0 : i32
    %dma_start3A_492 = tpu.memref_slice %arg5[%add3A_490, %dma_start3A_491] : memref<8192x2048xf32, #tpu.memory_space<hbm>> -> memref<32x2048xf32, #tpu.memory_space<hbm>>
    %dma_start3A_493 = arith.constant 0 : i32
    %dma_start3A_494 = tpu.memref_slice %arg5[%add3A_490, %dma_start3A_493] : memref<8192x2048xf32, #tpu.memory_space<hbm>> -> memref<32x2048xf32, #tpu.memory_space<hbm>>
    tpu.enqueue_dma source(%arg9 : memref<32x2048xf32, #tpu.memory_space<vmem>>) target(%dma_start3A_494 : memref<32x2048xf32, #tpu.memory_space<hbm>>) target_semaphore(%arg13 : memref<!tpu.dma_semaphore, #tpu.memory_space<semaphore_mem>>)
    %dma_wait3A_495 = arith.constant 0 : i32
    %dma_wait3A_496 = tpu.memref_slice %arg5[%add3A_477, %dma_wait3A_495] : memref<8192x2048xf32, #tpu.memory_space<hbm>> -> memref<24x2048xf32, #tpu.memory_space<hbm>>
    %dma_wait3A_497 = arith.constant 0 : i32
    %dma_wait3A_498 = tpu.memref_slice %arg5[%add3A_477, %dma_wait3A_497] : memref<8192x2048xf32, #tpu.memory_space<hbm>> -> memref<24x2048xf32, #tpu.memory_space<hbm>>
    tpu.wait_dma2 semaphore(%arg14 : memref<!tpu.dma_semaphore, #tpu.memory_space<semaphore_mem>>) src(%arg10 : memref<24x2048xf32, #tpu.memory_space<vmem>>) dst(%dma_wait3A_498 : memref<24x2048xf32, #tpu.memory_space<hbm>>)
    %dma_wait3A_499 = arith.constant 0 : i32
    %dma_wait3A_500 = tpu.memref_slice %arg5[%add3A_490, %dma_wait3A_499] : memref<8192x2048xf32, #tpu.memory_space<hbm>> -> memref<32x2048xf32, #tpu.memory_space<hbm>>
    %dma_wait3A_501 = arith.constant 0 : i32
    %dma_wait3A_502 = tpu.memref_slice %arg5[%add3A_490, %dma_wait3A_501] : memref<8192x2048xf32, #tpu.memory_space<hbm>> -> memref<32x2048xf32, #tpu.memory_space<hbm>>
    tpu.wait_dma2 semaphore(%arg13 : memref<!tpu.dma_semaphore, #tpu.memory_space<semaphore_mem>>) src(%arg9 : memref<32x2048xf32, #tpu.memory_space<vmem>>) dst(%dma_wait3A_502 : memref<32x2048xf32, #tpu.memory_space<hbm>>)
    return
  }
}

</mosaic_0001>

<sc_bundles>
// kernel: kernel.3.cloned.1.call-start
scs
__scs_entry_jumppad:
0x0: {  	(pc) =	sbr.rel $0x88, $3  }
0x1: {  	(tag) =	ssettag $0x0;
	lr =	simm.s32 $0x1  }
0x2: {  	[smem:$0x3F9E] =	sst lr;
	_ =	strace $0xD0000000  }
0x3: {  	_ = 	snop  }
0x4: {  	_ = 	snop  }
0x5: {  	_ = 	snop  }
0x6: {  	_ = 	snop  }
0x7: {  	_ = 	snop  }
__scs_overlays_trampoline_lowered:
0x8: {  	[smem:$0x3FAD] =	sst s0  }
0x9: {  	[smem:$0x3FAE] =	sst s1  }
0xa: {  	[smem:$0x3FAF] =	sst s2  }
0xb: {  	[smem:$0x3FB0] =	sst s3  }
0xc: {  	[smem:$0x3FB1] =	sst s4  }
0xd: {  	[smem:$0x3FB2] =	sst s5  }
0xe: {  	[smem:$0x3FB3] =	sst s6  }
0xf: {  	[smem:$0x3FB4] =	sst s7  }
0x10: {  	[smem:$0x3FB5] =	sst s8  }
0x11: {  	[smem:$0x3FB6] =	sst s9;
	s0 =	simm.s32 @!p0 $0x0  }
0x12: {  	s1 =	sld [smem:$0x3F9C];
	s0 =	simm.s32 @p0 $0x1  }
0x13: {  	[smem:$0x3FB7] =	sst s0;
	s0 =	simm.s32 @!p1 $0x0  }
0x14: {  	s2 =	sld [smem:$0x3F9B];
	s0 =	simm.s32 @p1 $0x1  }
0x15: {  	[smem:$0x3FB8] =	sst s0;
	s0 =	simm.s32 @!p2 $0x0  }
0x16: {  	s3 =	sld [smem:$0x3FDB];
	s0 =	simm.s32 @p2 $0x1  }
0x17: {  	s4 =	simm.s32 $0x1BF5;
	[smem:$0x3FBA] =	sst s0  }
0x18: {  	s0 =	sld [smem:$0x3F9D];
	_ =	swait.ge [sflag:s4], $0x0  }
0x19: {  	s7 =	sld [smem:$0x3F9E]  }
0x1a: {  	s8 =	sadd.s32 $0xFFFFE003, lr  }
0x1b: {  	s9 =	sadd.s32 $0xFFFFFEF7, lr;
	s5 =	simm.s32 $0xFFFFFFFF;
	p2 =	slt.u32 s8, $0xFFFFF086  }
0x1c: {  	p1 =	slt.u32 s9, $0xF7A;
	s5 =	simm.s32 @!p2 $0x0  }
0x1d: {  	s5 =	simm.s32 @p1 $0x1;
	p0 =	seq.s32 s7, s2  }
0x1e: {  	s7 =	smul.u32 @!p0 $0xF7A, s2;
	p2 =	seq.s32 @!p0 s5, $0x0  }
0x1f: {  	s9 =	smul.u32 $0xF7A, s1;
	s8 =	simm.s32 @!p0 $0x1BF5;
	p2 =	por !p2, p0  }
0x20: {  	[sflag:s8] =	ssyncset.s32 @!p0 $0xFFFFF086;
	s6 =	sadd.s32 @!p0 s3, s7;
	s7 =	simm.s32 @!p0 $0x108  }
0x21: {  	s3 =	sadd.s32 s3, s9;
	s6 =	sadd.s32 @!p0 $0x88, s6;
	s7 =	simm.s32 @p2 $0x1082  }
0x22: {  	[simem:s7], [sflag:s8] =	dma.local @!p0 [hbm:s6], $0xF7A  }
0x23: {  	s9 =	sor.u32 $0xD0000000, s2;
	s6 =	simm.s32 $0x108;
	_ =	swait.ge @!p0 [sflag:s8], $0x0  }
0x24: {  	s3 =	sadd.s32 $0x88, s3;
	s6 =	simm.s32 @!p1 $0x1082;
	[sflag:s4] =	ssyncset.s32 $0xFFFFF086  }
0x25: {  	[simem:s6], [sflag:s4] =	dma.local [hbm:s3], $0xF7A  }
0x26: {  	[smem:$0x3F9E] =	sst s1;
	(tag) =	ssettag s2;
	_ =	strace s9  }
0x27: {  	s1 =	sld [smem:$0x3FAE]  }
0x28: {  	s2 =	sld [smem:$0x3FAF]  }
0x29: {  	s4 =	sld [smem:$0x3FB1]  }
0x2a: {  	p0 =	seq.s32 s5, $0x0;
	s5 =	sld [smem:$0x3FB2]  }
0x2b: {  	s6 =	sld [smem:$0x3FB3]  }
0x2c: {  	s7 =	sld [smem:$0x3FB4]  }
0x2d: {  	s3 =	simm.s32 $0x108;
	s8 =	sld [smem:$0x3FB5]  }
0x2e: {  	s3 =	simm.s32 @!p0 $0x1082;
	s9 =	sld [smem:$0x3FB6]  }
0x2f: {  	lr =	sadd.s32 s0, s3;
	s0 =	sld [smem:$0x3FAD]  }
0x30: {  	s3 =	sld [smem:$0x3FB0]  }
0x31: {  	[smem:$0x3FB9] =	sst s10  }
0x32: {  	s10 =	sld [smem:$0x3FB7];
	_ =	sdelay $0x3  }
0x33: {  	p0 =	seq.s32 s10, $0x1;
	s10 =	sld [smem:$0x3FB9];
	_ =	sdelay $0x3  }
0x34: {  	[smem:$0x3FB9] =	sst s10  }
0x35: {  	s10 =	sld [smem:$0x3FB8];
	_ =	sdelay $0x3  }
0x36: {  	p1 =	seq.s32 s10, $0x1;
	s10 =	sld [smem:$0x3FB9];
	_ =	sdelay $0x3  }
0x37: {  	[smem:$0x3FB9] =	sst s10  }
0x38: {  	s10 =	sld [smem:$0x3FBA]  }
0x39: {  	_ = 	snop;
	(pc) =	sbr.ind lr, $3  }
0x3a: {  	_ = 	snop  }
0x3b: {  	_ = 	snop  }
0x3c: {  	p2 =	seq.s32 s10, $0x1;
	s10 =	sld [smem:$0x3FB9]  }
0x3d: {  	_ =	shalt  }
0x3e: {  	_ =	shalt  }
0x3f: {  	_ =	shalt  }
0x40: {  	_ =	shalt  }
0x41: {  	_ =	shalt  }
0x42: {  	_ =	shalt  }
0x43: {  	_ =	shalt  }
0x44: {  	_ =	shalt  }
0x45: {  	_ =	shalt  }
0x46: {  	_ =	shalt  }
0x47: {  	_ =	shalt  }
0x48: {  	_ =	shalt  }
0x49: {  	_ =	shalt  }
0x4a: {  	_ =	shalt  }
0x4b: {  	_ =	shalt  }
0x4c: {  	_ =	shalt  }
0x4d: {  	_ =	shalt  }
0x4e: {  	_ =	shalt  }
0x4f: {  	_ =	shalt  }
0x50: {  	_ =	shalt  }
0x51: {  	_ =	shalt  }
0x52: {  	_ =	shalt  }
0x53: {  	_ =	shalt  }
0x54: {  	_ =	shalt  }
0x55: {  	_ =	shalt  }
0x56: {  	_ =	shalt  }
0x57: {  	_ =	shalt  }
0x58: {  	_ =	shalt  }
0x59: {  	_ =	shalt  }
0x5a: {  	_ =	shalt  }
0x5b: {  	_ =	shalt  }
0x5c: {  	_ =	shalt  }
0x5d: {  	_ =	shalt  }
0x5e: {  	_ =	shalt  }
0x5f: {  	_ =	shalt  }
0x60: {  	_ =	shalt  }
0x61: {  	_ =	shalt  }
0x62: {  	_ =	shalt  }
0x63: {  	_ =	shalt  }
0x64: {  	_ =	shalt  }
0x65: {  	_ =	shalt  }
0x66: {  	_ =	shalt  }
0x67: {  	_ =	shalt  }
0x68: {  	_ =	shalt  }
0x69: {  	_ =	shalt  }
0x6a: {  	_ =	shalt  }
0x6b: {  	_ =	shalt  }
0x6c: {  	_ =	shalt  }
0x6d: {  	_ =	shalt  }
0x6e: {  	_ =	shalt  }
0x6f: {  	_ =	shalt  }
0x70: {  	_ =	shalt  }
0x71: {  	_ =	shalt  }
0x72: {  	_ =	shalt  }
0x73: {  	_ =	shalt  }
0x74: {  	_ =	shalt  }
0x75: {  	_ =	shalt  }
0x76: {  	_ =	shalt  }
0x77: {  	_ =	shalt  }
0x78: {  	_ =	shalt  }
0x79: {  	_ =	shalt  }
0x7a: {  	_ =	shalt  }
0x7b: {  	_ =	shalt  }
0x7c: {  	_ =	shalt  }
0x7d: {  	_ =	shalt  }
0x7e: {  	_ =	shalt  }
0x7f: {  	_ =	shalt  }
0x80: {  	_ =	shalt  }
0x81: {  	_ =	shalt  }
0x82: {  	_ =	shalt  }
0x83: {  	_ =	shalt  }
0x84: {  	_ =	shalt  }
0x85: {  	_ =	shalt  }
0x86: {  	_ =	shalt  }
0x87: {  	_ =	shalt  }
.Lfunc_end0:
.L_simem_size_0:
called_computation_lowered:
.L_overlay_start_0:
0x88: {  	s2 =	sld [smem:$0x3FD9]  }
0x89: {  	s3 =	sld [smem:$0x3FFE];
	_ =	sdelay $0x1  }
0x8a: {  	s1 =	srdreg.scid  }
0x8b: {  	s0 =	sand.u32 $0x1, s1  }
0x8c: {  	s17 =	sshll.u32 s0, $0xA;
	s2 =	sadd.s32 s3, s2  }
0x8d: {  	s2 =	sadd.s32 s2, s17  }
0x8e: {  	[smem:$0x3FC5] =	sst s2  }
0x8f: {  	_ = 	snop  }
0x90: {  	s2 =	sld [smem:$0x3FC7]  }
0x91: {  	s18 =	sld [smem:$0x3FD0];
	(tm) =	ssettm $0x1  }
0x92: {  	s4 =	sld [smem:$0x3FFB];
	_ =	sdelay $0x3  }
0x93: {  	_ =	strace s4  }
0x94: {  	s4 =	sld [smem:$0x3FFC];
	_ =	sdelay $0x3  }
0x95: {  	_ =	strace s4  }
0x96: {  	s4 =	sld [smem:$0x3FFD];
	_ =	sdelay $0x3  }
0x97: {  	_ =	strace s4  }
0x98: {  	_ =	strace $0x8FFFFFFF  }
0x99: {  	s19 =	sld [smem:$0x3FDB];
	_ =	sdelay $0x1  }
0x9a: {  	s5 =	simm.s32 $_scs_section_size  }
0x9b: {  	s6 =	simm.s32 $_size__tile_overlayer_lowered;
	s7 =	simm.s32 $_tile_overlayer_lowered  }
0x9c: {  	s22 =	simm.s32 $0x1BFF;
	s21 =	sshll.u32 s7, $0x1;
	s4 =	sadd.s32 s5, s19  }
0x9d: {  	s8 =	simm.s32 $0x0;
	s20 =	sshll.u32 s6, $0x1;
	s6 =	sadd.s32 s21, s4  }
0x9e: {  	[timem:s8], [sflag:s22] =	dma.local [hbm:s6], s20  }
0x9f: {  	_ =	swait.ge [sflag:s22], s20  }
0xa0: {  	s5 =	ssub.s32 $0x0, s20;
	[sflag:s22] =	ssyncset.done $0x0  }
0xa1: {  	[sflag:s22] =	ssyncadd.s32 s5;
	_ =	sdelay $0x1  }
0xa2: {  	s23 =	simm.s32 $0x1B8B  }
0xa3: {  	_ =	swait.ge [sflag:s23], $0x1  }
0xa4: {  	[sflag:s23] =	ssyncset.done $0x0  }
0xa5: {  	s25 =	simm.s32 $0x1B8E;
	s24 =	sld [smem:$0x3FFE];
	[sflag:s23] =	ssyncadd.s32 $0xFFFFFFFF  }
0xa6: {  	s26 =	simm.s32 $execute0_lowered;
	[smem:$0x3FD2] =	sst s25  }
0xa7: {  	s6 =	sshll.u32 s26, $0x1;
	_ =	strace $0x80000046;
	[dreg:$0x1] =	wrdreg $0xFFFFFFFF  }
0xa8: {  	s28 =	simm.s32 $_size_execute0_lowered;
	s4 =	sadd.s32 s4, s6;
	[dreg:$0x0] =	wrdreg $0x0  }
0xa9: {  	s6 =	sshll.u32 s28, $0x1;
	[dreg:$0x2] =	wrdreg s4  }
0xaa: {  	[dreg:$0x3] =	wrdreg s6  }
0xab: {  	[dreg:$0x4] =	wrdreg $0xC0  }
0xac: {  	_ =	task [dreg:s8], $0x5FFFF  }
0xad: {  	[dreg:$0x1] =	wrdreg $0xFFFFFFFF  }
0xae: {  	[dreg:$0x0] =	wrdreg $0x60  }
0xaf: {  	[dreg:$0x2] =	wrdreg s24  }
0xb0: {  	[dreg:$0x3] =	wrdreg s2  }
0xb1: {  	[dreg:$0x4] =	wrdreg s18  }
0xb2: {  	[dreg:$0x5] =	wrdreg $0x9  }
0xb3: {  	_ =	task.clear_ibuf [dreg:s8], $0x6FFFF;
	_ =	strace $0x90000046  }
0xb4: {  	s29 =	simm.s32 $0x9;
	_ =	strace $0x80000048  }
0xb5: {  	_ =	swait.ge [sflag:s29], $0x1  }
0xb6: {  	[sflag:s29] =	ssyncadd.s32 $0xFFFFFFFF  }
0xb7: {  	_ =	strace $0x90000048  }
0xb8: {  	_ =	sfence  }
0xb9: {  	s30 =	sld [smem:$0x0];
	_ =	sdelay $0x2  }
0xba: {  	s31 =	sshll.u32 s1, $0xD;
	s1 =	sshrl.u32 s1, $0x2  }
0xbb: {  	s3 =	sand.u32 $0x4000, s31;
	s1 =	sadd.s32 s1, s30  }
0xbc: {  	s0 =	sor.u32 s3, s0;
	s1 =	sshll.u32 s1, $0x11  }
0xbd: {  	s0 =	sor.u32 s1, s0  }
0xbe: {  	s0 =	sadd.s32 $0x8F2B, s0  }
0xbf: {  	[sflag:s0] =	ssyncadd.remote.s32 $0x1  }
0xc0: {  	_ =	sfence.sel $0xFFFF  }
0xc1: {  	[dreg:$0x0] =	wrdreg $0xFFFFFFFF;
	(pc) =	sbr.abs _section_cstart, $3  }
0xc2: {  	[dreg:$0x1] =	wrdreg $0xFFFFFFFF  }
0xc3: {  	_ =	task.clear_ibuf [dreg:s8], $0x2FFFF;
	_ =	strace $0x9FFFFFFF  }
0xc4: {  	(tm) =	ssettm $0x7FFFFFFF  }
0xc5: {  	_ =	shalt  }
tec
execute0_lowered:
.L_overlay_start_1:
0x0: {  	(tag) =	ssettag $0x1  }
0x1: {  	s0 =	rddreg [dreg:$0x0];
	s1 =	srdreg.scid  }
0x2: {  	s2 =	rddreg [dreg:$0x1];
	s3 =	stileid.u32  }
0x3: {  	s4 =	rddreg [dreg:$0x2];
	s31 =	simm.s32 $0x100;
	s1 =	sand.u32 $0x1, s1  }
0x4: {  	s5 =	sshll.u32 s3, $0x9;
	s3 =	simm.s32 $0x0;
	s6 =	sshll.u32 s1, $0x8  }
0x5: {  	s15 =	simm.s32 $0x1;
	[smem:$0x7FF] =	sst s3;
	s5 =	sor.u32 s6, s5  }
0x6: {  	_ =	strace $0x80000047;
	s6 =	sshrl.u32 s5, $0x3;
	s5 =	sshll.u32 s5, $0x8  }
0x7: {  	[dreg:$0xe] =	wrdreg s31;
	s0 =	sadd.s32 s6, s0;
	s11 =	sadd.s32 s4, s5  }
0x8: {  	s30 =	simm.s32 $0x3;
	s6 =	sadd.s32 $0x400, s0;
	[dreg:$0xf] =	wrdreg s11  }
0x9: {  	s7 =	sadd.s32 $0x300, s2;
	s0 =	sadd.s32 $0x800, s0;
	[dreg:$0x4] =	wrdreg s6  }
0xa: {  	s8 =	sadd.s32 $0x400, s2;
	s21 =	sadd.s32 $0x2000, s11;
	[dreg:$0x5] =	wrdreg s0  }
0xb: {  	s9 =	sadd.s32 $0x500, s2;
	s22 =	sadd.s32 $0x3800, s11;
	[dreg:$0x6] =	wrdreg s21  }
0xc: {  	s10 =	sadd.s32 $0x600, s2;
	s23 =	sadd.s32 $0x5800, s11;
	[dreg:$0x7] =	wrdreg s22  }
0xd: {  	s1 =	ssub.s32 $0x2, s1;
	s24 =	sadd.s32 $0x7000, s11;
	[dreg:$0x8] =	wrdreg s23  }
0xe: {  	s20 =	sshrl.u32 s1, $0x1;
	s25 =	sadd.s32 $0x9000, s11;
	[dreg:$0x9] =	wrdreg s24  }
0xf: {  	s1 =	ssub.s32 s1, s20;
	s26 =	sadd.s32 $0xA800, s11;
	[dreg:$0xa] =	wrdreg s25  }
0x10: {  	v2 =	vlaneseq.u32;
	s5 =	sadd.s32 $0x100, s2;
	s28 =	sadd.s32 $0xC800, s11;
	[dreg:$0xb] =	wrdreg s26  }
0x11: {  	vm0 =	vmmov $0xffff;
	v1 =	vshrl.u32 v2, $0x3;
	s1 =	smax.u32 s1, $0x1;
	s29 =	sadd.s32 $0xE000, s11;
	[dreg:$0xc] =	wrdreg s28  }
0x12: {  	v0 =	vand.u32 $0x7, v2;
	v2 =	vor.u32 $0x8, v2;
	v1 =	vmul.u32 $0x8, v1;
	s11 =	sadd.s32 $0x700, s2;
	s6 =	sadd.s32 $0x200, s2;
	[dreg:$0xd] =	wrdreg s29  }
.LBB2_1:
0x13: {  	[dreg:$0x10] =	wrdreg s1  }
0x14: {  	s0 =	rddreg [dreg:$0x4];
	s13 =	simm.s32 $0x5  }
0x15: {  	[tilespmem:s3], [sflag:$0x5] =	stream.linear.gather [hbm4b:s0+s3], $0x100, $0x38;
	[tilespmem:$0x1CA00] =	vst v63  }
0x16: {  	_ =	swait.ge [sflag:s13], $0x100  }
0x17: {  	s19 =	rddreg [dreg:$0x5];
	[sflag:s13] =	ssyncset.done $0x0  }
0x18: {  	s4 =	rddreg [dreg:$0xe];
	[sflag:s13] =	ssyncadd.s32 $0xFFFFFF00  }
0x19: {  	[tilespmem:s4], [sflag:$0x5] =	stream.linear.gather [hbm4b:s19+s3], $0x100, $0x38;
	[tilespmem:$0x1CA00] =	vst v63  }
0x1a: {  	_ =	swait.ge [sflag:s13], $0x100  }
0x1b: {  	[sflag:s13] =	ssyncset.done $0x0  }
0x1c: {  	[sflag:s13] =	ssyncadd.s32 $0xFFFFFF00  }
0x1d: {  	v3 =	vld [tilespmem:$0x100];
	_ =	sdelay $0x1  }
0x1e: {  	v4 =	vld [tilespmem:$0x0];
	_ =	sdelay $0x2  }
0x1f: {  	v3 =	vmul.u32 $0x803, v3;
	_ =	sdelay $0x1  }
0x20: {  	v3 =	vadd.s32 v4, v3  }
0x21: {  	v4 =	vshll.u32 v3, $0x4  }
0x22: {  	v5 =	vld [tilespmem:$0x110];
	v6 =	vand.u32 $0x7, v3;
	v4 =	vand.u32 $0xFFFFFF80, v4  }
0x23: {  	v4 =	vor.u32 v6, v4  }
0x24: {  	v19 =	vld [tilespmem:$0x10];
	v7 =	vperm.xlane v4, v0;
	_ =	sdelay $0x1  }
0x25: {  	v7 =	vadd.s32 v1, v7  }
0x26: {  	v5 =	vmul.u32 $0x803, v5;
	_ =	sdelay $0x1  }
0x27: {  	[tilespmem:$0x200] =	vst v3;
	v3 =	vadd.s32 v19, v5  }
0x28: {  	s20 =	simm.s32 $0xA00;
	[tilespmem:$0x210] =	vst v3  }
0x29: {  	[tilespmem:s20], [sflag:$0x1] =	stream.indirect_vreg.gather [hbm4b:s2+s3], $0x80, v7, vm0, $0xb8;
	[tilespmem:$0x1CA00] =	vst v63  }
0x2a: {  	s21 =	simm.s32 $0x1200  }
0x2b: {  	[tilespmem:s21], [sflag:$0x1] =	stream.indirect_vreg.gather [hbm4b:s5+s3], $0x80, v7, vm0, $0xb8;
	[tilespmem:$0x1CA00] =	vst v63  }
0x2c: {  	s22 =	simm.s32 $0x1A00  }
0x2d: {  	[tilespmem:s22], [sflag:$0x1] =	stream.indirect_vreg.gather [hbm4b:s6+s3], $0x80, v7, vm0, $0xb8;
	[tilespmem:$0x1CA00] =	vst v63  }
0x2e: {  	s23 =	simm.s32 $0x2200  }
0x2f: {  	[tilespmem:s23], [sflag:$0x1] =	stream.indirect_vreg.gather [hbm4b:s7+s3], $0x80, v7, vm0, $0xb8;
	[tilespmem:$0x1CA00] =	vst v63  }
0x30: {  	s24 =	simm.s32 $0x2A00  }
0x31: {  	[tilespmem:s24], [sflag:$0x1] =	stream.indirect_vreg.gather [hbm4b:s8+s3], $0x80, v7, vm0, $0xb8;
	[tilespmem:$0x1CA00] =	vst v63  }
0x32: {  	s25 =	simm.s32 $0x3200;
	v3 =	vperm.xlane v4, v2  }
0x33: {  	[tilespmem:s25], [sflag:$0x1] =	stream.indirect_vreg.gather [hbm4b:s9+s3], $0x80, v7, vm0, $0xb8;
	[tilespmem:$0x1CA00] =	vst v63  }
0x34: {  	s26 =	simm.s32 $0x3A00;
	v3 =	vadd.s32 v1, v3  }
0x35: {  	[tilespmem:s26], [sflag:$0x1] =	stream.indirect_vreg.gather [hbm4b:s10+s3], $0x80, v7, vm0, $0xb8;
	[tilespmem:$0x1CA00] =	vst v63  }
0x36: {  	s28 =	simm.s32 $0x4200  }
0x37: {  	[tilespmem:s28], [sflag:$0x1] =	stream.indirect_vreg.gather [hbm4b:s11+s3], $0x80, v7, vm0, $0xb8;
	[tilespmem:$0x1CA00] =	vst v63  }
0x38: {  	s29 =	simm.s32 $0x4A00  }
0x39: {  	[tilespmem:s29], [sflag:$0x1] =	stream.indirect_vreg.gather [hbm4b:s2+s3], $0x80, v3, vm0, $0xb8;
	[tilespmem:$0x1CA00] =	vst v63  }
0x3a: {  	s31 =	simm.s32 $0x5200  }
0x3b: {  	[tilespmem:s31], [sflag:$0x1] =	stream.indirect_vreg.gather [hbm4b:s5+s3], $0x80, v3, vm0, $0xb8;
	[tilespmem:$0x1CA00] =	vst v63  }
0x3c: {  	s4 =	simm.s32 $0x5A00  }
0x3d: {  	[tilespmem:s4], [sflag:$0x1] =	stream.indirect_vreg.gather [hbm4b:s6+s3], $0x80, v3, vm0, $0xb8;
	[tilespmem:$0x1CA00] =	vst v63  }
0x3e: {  	s12 =	simm.s32 $0x6200  }
0x3f: {  	[tilespmem:s12], [sflag:$0x1] =	stream.indirect_vreg.gather [hbm4b:s7+s3], $0x80, v3, vm0, $0xb8;
	[tilespmem:$0x1CA00] =	vst v63  }
0x40: {  	s13 =	simm.s32 $0x6A00  }
0x41: {  	[tilespmem:s13], [sflag:$0x1] =	stream.indirect_vreg.gather [hbm4b:s8+s3], $0x80, v3, vm0, $0xb8;
	[tilespmem:$0x1CA00] =	vst v63  }
0x42: {  	s14 =	simm.s32 $0x7200  }
0x43: {  	[tilespmem:s14], [sflag:$0x1] =	stream.indirect_vreg.gather [hbm4b:s9+s3], $0x80, v3, vm0, $0xb8;
	[tilespmem:$0x1CA00] =	vst v63  }
0x44: {  	s16 =	simm.s32 $0x7A00  }
0x45: {  	[tilespmem:s16], [sflag:$0x1] =	stream.indirect_vreg.gather [hbm4b:s10+s3], $0x80, v3, vm0, $0xb8;
	[tilespmem:$0x1CA00] =	vst v63  }
0x46: {  	s19 =	simm.s32 $0x8200  }
0x47: {  	[tilespmem:s19], [sflag:$0x1] =	stream.indirect_vreg.gather [hbm4b:s11+s3], $0x80, v3, vm0, $0xb8;
	[tilespmem:$0x1CA00] =	vst v63  }
0x48: {  	v3 =	vld [tilespmem:$0x210];
	_ =	sdelay $0x4  }
0x49: {  	v20 =	vshll.u32 v3, $0x4  }
0x4a: {  	v3 =	vand.u32 $0x7, v3;
	v4 =	vand.u32 $0xFFFFFF80, v20  }
0x4b: {  	v3 =	vor.u32 v3, v4  }
0x4c: {  	v4 =	vperm.xlane v3, v0;
	_ =	sdelay $0x1  }
0x4d: {  	v4 =	vadd.s32 v1, v4;
	_ =	sdelay $0x3  }
0x4e: {  	s20 =	simm.s32 $0x8A00  }
0x4f: {  	[tilespmem:s20], [sflag:$0x1] =	stream.indirect_vreg.gather [hbm4b:s2+s3], $0x80, v4, vm0, $0xb8;
	[tilespmem:$0x1CA00] =	vst v63  }
0x50: {  	s21 =	simm.s32 $0x9200  }
0x51: {  	[tilespmem:s21], [sflag:$0x1] =	stream.indirect_vreg.gather [hbm4b:s5+s3], $0x80, v4, vm0, $0xb8;
	[tilespmem:$0x1CA00] =	vst v63  }
0x52: {  	s22 =	simm.s32 $0x9A00  }
0x53: {  	[tilespmem:s22], [sflag:$0x1] =	stream.indirect_vreg.gather [hbm4b:s6+s3], $0x80, v4, vm0, $0xb8;
	[tilespmem:$0x1CA00] =	vst v63  }
0x54: {  	s23 =	simm.s32 $0xA200  }
0x55: {  	[tilespmem:s23], [sflag:$0x1] =	stream.indirect_vreg.gather [hbm4b:s7+s3], $0x80, v4, vm0, $0xb8;
	[tilespmem:$0x1CA00] =	vst v63  }
0x56: {  	s24 =	simm.s32 $0xAA00  }
0x57: {  	[tilespmem:s24], [sflag:$0x1] =	stream.indirect_vreg.gather [hbm4b:s8+s3], $0x80, v4, vm0, $0xb8;
	[tilespmem:$0x1CA00] =	vst v63  }
0x58: {  	s25 =	simm.s32 $0xB200;
	v3 =	vperm.xlane v3, v2  }
0x59: {  	[tilespmem:s25], [sflag:$0x1] =	stream.indirect_vreg.gather [hbm4b:s9+s3], $0x80, v4, vm0, $0xb8;
	[tilespmem:$0x1CA00] =	vst v63  }
0x5a: {  	s26 =	simm.s32 $0xBA00;
	v3 =	vadd.s32 v1, v3  }
0x5b: {  	[tilespmem:s26], [sflag:$0x1] =	stream.indirect_vreg.gather [hbm4b:s10+s3], $0x80, v4, vm0, $0xb8;
	[tilespmem:$0x1CA00] =	vst v63  }
0x5c: {  	s28 =	simm.s32 $0xC200  }
0x5d: {  	[tilespmem:s28], [sflag:$0x1] =	stream.indirect_vreg.gather [hbm4b:s11+s3], $0x80, v4, vm0, $0xb8;
	[tilespmem:$0x1CA00] =	vst v63  }
0x5e: {  	s29 =	simm.s32 $0xCA00  }
0x5f: {  	[tilespmem:s29], [sflag:$0x1] =	stream.indirect_vreg.gather [hbm4b:s2+s3], $0x80, v3, vm0, $0xb8;
	[tilespmem:$0x1CA00] =	vst v63  }
0x60: {  	s31 =	simm.s32 $0xD200  }
0x61: {  	[tilespmem:s31], [sflag:$0x1] =	stream.indirect_vreg.gather [hbm4b:s5+s3], $0x80, v3, vm0, $0xb8;
	[tilespmem:$0x1CA00] =	vst v63  }
0x62: {  	s12 =	simm.s32 $0xDA00  }
0x63: {  	[tilespmem:s12], [sflag:$0x1] =	stream.indirect_vreg.gather [hbm4b:s6+s3], $0x80, v3, vm0, $0xb8;
	[tilespmem:$0x1CA00] =	vst v63  }
0x64: {  	s14 =	simm.s32 $0xE200  }
0x65: {  	[tilespmem:s14], [sflag:$0x1] =	stream.indirect_vreg.gather [hbm4b:s7+s3], $0x80, v3, vm0, $0xb8;
	[tilespmem:$0x1CA00] =	vst v63  }
0x66: {  	s19 =	simm.s32 $0xEA00  }
0x67: {  	[tilespmem:s19], [sflag:$0x1] =	stream.indirect_vreg.gather [hbm4b:s8+s3], $0x80, v3, vm0, $0xb8;
	[tilespmem:$0x1CA00] =	vst v63  }
0x68: {  	s20 =	simm.s32 $0xF200  }
0x69: {  	[tilespmem:s20], [sflag:$0x1] =	stream.indirect_vreg.gather [hbm4b:s9+s3], $0x80, v3, vm0, $0xb8;
	[tilespmem:$0x1CA00] =	vst v63  }
0x6a: {  	s21 =	simm.s32 $0xFA00  }
0x6b: {  	[tilespmem:s21], [sflag:$0x1] =	stream.indirect_vreg.gather [hbm4b:s10+s3], $0x80, v3, vm0, $0xb8;
	[tilespmem:$0x1CA00] =	vst v63  }
0x6c: {  	s22 =	simm.s32 $0x10200  }
0x6d: {  	[tilespmem:s22], [sflag:$0x1] =	stream.indirect_vreg.gather [hbm4b:s11+s3], $0x80, v3, vm0, $0xb8;
	[tilespmem:$0x1CA00] =	vst v63  }
0x6e: {  	v3 =	vld [tilespmem:$0x120];
	_ =	sdelay $0x1  }
0x6f: {  	v4 =	vld [tilespmem:$0x20];
	_ =	sdelay $0x2  }
0x70: {  	v3 =	vmul.u32 $0x803, v3;
	_ =	sdelay $0x1  }
0x71: {  	v3 =	vadd.s32 v4, v3  }
0x72: {  	v4 =	vshll.u32 v3, $0x4  }
0x73: {  	v21 =	vld [tilespmem:$0x130];
	v22 =	vand.u32 $0x7, v3;
	v4 =	vand.u32 $0xFFFFFF80, v4  }
0x74: {  	v4 =	vor.u32 v22, v4  }
0x75: {  	v23 =	vld [tilespmem:$0x30];
	v24 =	vperm.xlane v4, v0;
	_ =	sdelay $0x1  }
0x76: {  	v7 =	vadd.s32 v1, v24  }
0x77: {  	v5 =	vmul.u32 $0x803, v21;
	_ =	sdelay $0x1  }
0x78: {  	[tilespmem:$0x280] =	vst v3;
	v3 =	vadd.s32 v23, v5  }
0x79: {  	s23 =	simm.s32 $0x10A00;
	[tilespmem:$0x290] =	vst v3  }
0x7a: {  	[tilespmem:s23], [sflag:$0x2] =	stream.indirect_vreg.gather [hbm4b:s2+s3], $0x80, v7, vm0, $0xb8;
	[tilespmem:$0x1CA00] =	vst v63  }
0x7b: {  	s24 =	simm.s32 $0x11200  }
0x7c: {  	[tilespmem:s24], [sflag:$0x2] =	stream.indirect_vreg.gather [hbm4b:s5+s3], $0x80, v7, vm0, $0xb8;
	[tilespmem:$0x1CA00] =	vst v63  }
0x7d: {  	s25 =	simm.s32 $0x11A00  }
0x7e: {  	[tilespmem:s25], [sflag:$0x2] =	stream.indirect_vreg.gather [hbm4b:s6+s3], $0x80, v7, vm0, $0xb8;
	[tilespmem:$0x1CA00] =	vst v63  }
0x7f: {  	s26 =	simm.s32 $0x12200  }
0x80: {  	[tilespmem:s26], [sflag:$0x2] =	stream.indirect_vreg.gather [hbm4b:s7+s3], $0x80, v7, vm0, $0xb8;
	[tilespmem:$0x1CA00] =	vst v63  }
0x81: {  	s28 =	simm.s32 $0x12A00  }
0x82: {  	[tilespmem:s28], [sflag:$0x2] =	stream.indirect_vreg.gather [hbm4b:s8+s3], $0x80, v7, vm0, $0xb8;
	[tilespmem:$0x1CA00] =	vst v63  }
0x83: {  	s29 =	simm.s32 $0x13200;
	v3 =	vperm.xlane v4, v2  }
0x84: {  	[tilespmem:s29], [sflag:$0x2] =	stream.indirect_vreg.gather [hbm4b:s9+s3], $0x80, v7, vm0, $0xb8;
	[tilespmem:$0x1CA00] =	vst v63  }
0x85: {  	s31 =	simm.s32 $0x13A00;
	v3 =	vadd.s32 v1, v3  }
0x86: {  	[tilespmem:s31], [sflag:$0x2] =	stream.indirect_vreg.gather [hbm4b:s10+s3], $0x80, v7, vm0, $0xb8;
	[tilespmem:$0x1CA00] =	vst v63  }
0x87: {  	s12 =	simm.s32 $0x14200  }
0x88: {  	[tilespmem:s12], [sflag:$0x2] =	stream.indirect_vreg.gather [hbm4b:s11+s3], $0x80, v7, vm0, $0xb8;
	[tilespmem:$0x1CA00] =	vst v63  }
0x89: {  	s14 =	simm.s32 $0x14A00  }
0x8a: {  	[tilespmem:s14], [sflag:$0x2] =	stream.indirect_vreg.gather [hbm4b:s2+s3], $0x80, v3, vm0, $0xb8;
	[tilespmem:$0x1CA00] =	vst v63  }
0x8b: {  	s19 =	simm.s32 $0x15200  }
0x8c: {  	[tilespmem:s19], [sflag:$0x2] =	stream.indirect_vreg.gather [hbm4b:s5+s3], $0x80, v3, vm0, $0xb8;
	[tilespmem:$0x1CA00] =	vst v63  }
0x8d: {  	s20 =	simm.s32 $0x15A00  }
0x8e: {  	[tilespmem:s20], [sflag:$0x2] =	stream.indirect_vreg.gather [hbm4b:s6+s3], $0x80, v3, vm0, $0xb8;
	[tilespmem:$0x1CA00] =	vst v63  }
0x8f: {  	s21 =	simm.s32 $0x16200  }
0x90: {  	[tilespmem:s21], [sflag:$0x2] =	stream.indirect_vreg.gather [hbm4b:s7+s3], $0x80, v3, vm0, $0xb8;
	[tilespmem:$0x1CA00] =	vst v63  }
0x91: {  	s22 =	simm.s32 $0x16A00  }
0x92: {  	[tilespmem:s22], [sflag:$0x2] =	stream.indirect_vreg.gather [hbm4b:s8+s3], $0x80, v3, vm0, $0xb8;
	[tilespmem:$0x1CA00] =	vst v63  }
0x93: {  	s23 =	simm.s32 $0x17200  }
0x94: {  	[tilespmem:s23], [sflag:$0x2] =	stream.indirect_vreg.gather [hbm4b:s9+s3], $0x80, v3, vm0, $0xb8;
	[tilespmem:$0x1CA00] =	vst v63  }
0x95: {  	s24 =	simm.s32 $0x17A00  }
0x96: {  	[tilespmem:s24], [sflag:$0x2] =	stream.indirect_vreg.gather [hbm4b:s10+s3], $0x80, v3, vm0, $0xb8;
	[tilespmem:$0x1CA00] =	vst v63  }
0x97: {  	s25 =	simm.s32 $0x18200  }
0x98: {  	[tilespmem:s25], [sflag:$0x2] =	stream.indirect_vreg.gather [hbm4b:s11+s3], $0x80, v3, vm0, $0xb8;
	[tilespmem:$0x1CA00] =	vst v63  }
0x99: {  	v3 =	vld.msk [tilespmem:$0x290], $0xff;
	_ =	sdelay $0x4  }
0x9a: {  	v25 =	vshll.u32 v3, $0x4  }
0x9b: {  	v3 =	vand.u32 $0x7, v3;
	v4 =	vand.u32 $0xFFFFFF80, v25  }
0x9c: {  	v3 =	vor.u32 v3, v4  }
0x9d: {  	v3 =	vperm.xlane v3, v0;
	_ =	sdelay $0x1  }
0x9e: {  	v3 =	vadd.s32 v1, v3;
	_ =	sdelay $0x3  }
0x9f: {  	s26 =	simm.s32 $0x18A00  }
0xa0: {  	[tilespmem:s26], [sflag:$0x2] =	stream.indirect_vreg.gather [hbm4b:s2+s3], $0x80, v3, vm0, $0xb8;
	[tilespmem:$0x1CA00] =	vst v63  }
0xa1: {  	s28 =	simm.s32 $0x19200  }
0xa2: {  	[tilespmem:s28], [sflag:$0x2] =	stream.indirect_vreg.gather [hbm4b:s5+s3], $0x80, v3, vm0, $0xb8;
	[tilespmem:$0x1CA00] =	vst v63  }
0xa3: {  	s29 =	simm.s32 $0x19A00  }
0xa4: {  	[tilespmem:s29], [sflag:$0x2] =	stream.indirect_vreg.gather [hbm4b:s6+s3], $0x80, v3, vm0, $0xb8;
	[tilespmem:$0x1CA00] =	vst v63  }
0xa5: {  	s31 =	simm.s32 $0x1A200  }
0xa6: {  	[tilespmem:s31], [sflag:$0x2] =	stream.indirect_vreg.gather [hbm4b:s7+s3], $0x80, v3, vm0, $0xb8;
	[tilespmem:$0x1CA00] =	vst v63  }
0xa7: {  	s12 =	simm.s32 $0x1AA00  }
0xa8: {  	[tilespmem:s12], [sflag:$0x2] =	stream.indirect_vreg.gather [hbm4b:s8+s3], $0x80, v3, vm0, $0xb8;
	[tilespmem:$0x1CA00] =	vst v63  }
0xa9: {  	s14 =	simm.s32 $0x1B200  }
0xaa: {  	[tilespmem:s14], [sflag:$0x2] =	stream.indirect_vreg.gather [hbm4b:s9+s3], $0x80, v3, vm0, $0xb8;
	[tilespmem:$0x1CA00] =	vst v63  }
0xab: {  	s19 =	simm.s32 $0x1BA00  }
0xac: {  	[tilespmem:s19], [sflag:$0x2] =	stream.indirect_vreg.gather [hbm4b:s10+s3], $0x80, v3, vm0, $0xb8;
	[tilespmem:$0x1CA00] =	vst v63  }
0xad: {  	s20 =	simm.s32 $0x1C200  }
0xae: {  	[tilespmem:s20], [sflag:$0x2] =	stream.indirect_vreg.gather [hbm4b:s11+s3], $0x80, v3, vm0, $0xb8;
	[tilespmem:$0x1CA00] =	vst v63  }
0xaf: {  	v3 =	vld [tilespmem:$0x38]  }
0xb0: {  	v26 =	vld [tilespmem:$0x138]  }
0xb1: {  	v27 =	vld [tilespmem:$0x48]  }
0xb2: {  	v28 =	vld [tilespmem:$0x148]  }
0xb3: {  	v7 =	vld [tilespmem:$0x58]  }
0xb4: {  	v8 =	vld [tilespmem:$0x158]  }
0xb5: {  	v9 =	vld [tilespmem:$0x68]  }
0xb6: {  	v10 =	vld [tilespmem:$0x168]  }
0xb7: {  	v11 =	vld [tilespmem:$0x70]  }
0xb8: {  	v12 =	vld [tilespmem:$0x170]  }
0xb9: {  	v13 =	vld [tilespmem:$0x80]  }
0xba: {  	v14 =	vld [tilespmem:$0x180]  }
0xbb: {  	v15 =	vld [tilespmem:$0x90]  }
0xbc: {  	v16 =	vld [tilespmem:$0x190]  }
0xbd: {  	v17 =	vld [tilespmem:$0xA0]  }
0xbe: {  	v18 =	vld [tilespmem:$0x1A0]  }
0xbf: {  	v19 =	vld [tilespmem:$0xA8]  }
0xc0: {  	v20 =	vld [tilespmem:$0x1A8];
	v4 =	vmul.u32 $0x803, v26  }
0xc1: {  	v21 =	vld [tilespmem:$0xB8];
	v6 =	vmul.u32 $0x803, v28  }
0xc2: {  	v30 =	vld [tilespmem:$0x1B8];
	v29 =	vmul.u32 $0x803, v8;
	v3 =	vadd.s32 v3, v4  }
0xc3: {  	v32 =	vld [tilespmem:$0xC8];
	v31 =	vmul.u32 $0x803, v10;
	[tilespmem:$0x300] =	vst v3;
	v3 =	vadd.s32 v27, v6  }
0xc4: {  	v34 =	vld [tilespmem:$0x1C8];
	v33 =	vmul.u32 $0x803, v12;
	[tilespmem:$0x310] =	vst v3;
	v3 =	vadd.s32 v7, v29  }
0xc5: {  	v36 =	vld [tilespmem:$0xD8];
	v35 =	vmul.u32 $0x803, v14;
	[tilespmem:$0x380] =	vst v3;
	v3 =	vadd.s32 v9, v31  }
0xc6: {  	v38 =	vld [tilespmem:$0x1D8];
	v37 =	vmul.u32 $0x803, v16;
	[tilespmem:$0x390] =	vst v3;
	v3 =	vadd.s32 v11, v33  }
0xc7: {  	v40 =	vld [tilespmem:$0x1E0];
	v39 =	vmul.u32 $0x803, v18;
	[tilespmem:$0x400] =	vst v3;
	v3 =	vadd.s32 v13, v35  }
0xc8: {  	v42 =	vld [tilespmem:$0x1F0];
	v41 =	vmul.u32 $0x803, v20;
	[tilespmem:$0x410] =	vst v3;
	v3 =	vadd.s32 v15, v37  }
0xc9: {  	v44 =	vld [tilespmem:$0xE0];
	v43 =	vmul.u32 $0x803, v30;
	[tilespmem:$0x480] =	vst v3;
	v3 =	vadd.s32 v17, v39  }
0xca: {  	v46 =	vld [tilespmem:$0xF0];
	v45 =	vmul.u32 $0x803, v34;
	[tilespmem:$0x490] =	vst v3;
	v3 =	vadd.s32 v19, v41  }
0xcb: {  	v47 =	vmul.u32 $0x803, v38;
	[tilespmem:$0x500] =	vst v3;
	v3 =	vadd.s32 v21, v43  }
0xcc: {  	v48 =	vmul.u32 $0x803, v40;
	[tilespmem:$0x510] =	vst v3;
	v3 =	vadd.s32 v32, v45  }
0xcd: {  	v49 =	vmul.u32 $0x803, v42;
	[tilespmem:$0x580] =	vst v3;
	v3 =	vadd.s32 v36, v47  }
0xce: {  	[tilespmem:$0x590] =	vst v3;
	v3 =	vadd.s32 v44, v48  }
0xcf: {  	[tilespmem:$0x600] =	vst v3;
	v3 =	vadd.s32 v46, v49  }
0xd0: {  	[tilespmem:$0x610] =	vst v3  }
0xd1: {  	_ =	swait.ge [sflag:s15], $0x10000  }
0xd2: {  	[sflag:s15] =	ssyncset.done $0x0  }
0xd3: {  	s1 =	simm.s32 $0xA00;
	s21 =	rddreg [dreg:$0xf];
	[sflag:s15] =	ssyncadd.s32 $0xFFFF0000  }
0xd4: {  	[hbm4b:s21+s3] =	stream.linear.scatter [tilespmem:s1], [sflag:$0x3], $0x10000, $0x38;
	[tilespmem:$0x1CA00] =	vst v63  }
0xd5: {  	_ =	swait.ge [sflag:s30], $0x10000  }
0xd6: {  	[sflag:s30] =	ssyncset.done $0x0  }
0xd7: {  	[sflag:s30] =	ssyncadd.s32 $0xFFFF0000  }
0xd8: {  	v3 =	vld [tilespmem:$0x300];
	_ =	sdelay $0x4  }
0xd9: {  	v50 =	vshll.u32 v3, $0x4  }
0xda: {  	v3 =	vand.u32 $0x7, v3;
	v4 =	vand.u32 $0xFFFFFF80, v50  }
0xdb: {  	v3 =	vor.u32 v3, v4  }
0xdc: {  	v4 =	vperm.xlane v3, v0;
	_ =	sdelay $0x1  }
0xdd: {  	v4 =	vadd.s32 v1, v4;
	_ =	sdelay $0x4  }
0xde: {  	[tilespmem:s1], [sflag:$0x1] =	stream.indirect_vreg.gather [hbm4b:s2+s3], $0x80, v4, vm0, $0xb8;
	[tilespmem:$0x1CA00] =	vst v63  }
0xdf: {  	s22 =	simm.s32 $0x1200  }
0xe0: {  	[tilespmem:s22], [sflag:$0x1] =	stream.indirect_vreg.gather [hbm4b:s5+s3], $0x80, v4, vm0, $0xb8;
	[tilespmem:$0x1CA00] =	vst v63  }
0xe1: {  	s23 =	simm.s32 $0x1A00  }
0xe2: {  	[tilespmem:s23], [sflag:$0x1] =	stream.indirect_vreg.gather [hbm4b:s6+s3], $0x80, v4, vm0, $0xb8;
	[tilespmem:$0x1CA00] =	vst v63  }
0xe3: {  	s24 =	simm.s32 $0x2200  }
0xe4: {  	[tilespmem:s24], [sflag:$0x1] =	stream.indirect_vreg.gather [hbm4b:s7+s3], $0x80, v4, vm0, $0xb8;
	[tilespmem:$0x1CA00] =	vst v63  }
0xe5: {  	s18 =	simm.s32 $0x2A00  }
0xe6: {  	[tilespmem:s18], [sflag:$0x1] =	stream.indirect_vreg.gather [hbm4b:s8+s3], $0x80, v4, vm0, $0xb8;
	[tilespmem:$0x1CA00] =	vst v63  }
0xe7: {  	s17 =	simm.s32 $0x3200;
	v3 =	vperm.xlane v3, v2  }
0xe8: {  	[tilespmem:s17], [sflag:$0x1] =	stream.indirect_vreg.gather [hbm4b:s9+s3], $0x80, v4, vm0, $0xb8;
	[tilespmem:$0x1CA00] =	vst v63  }
0xe9: {  	s25 =	simm.s32 $0x3A00;
	v3 =	vadd.s32 v1, v3  }
0xea: {  	[tilespmem:s25], [sflag:$0x1] =	stream.indirect_vreg.gather [hbm4b:s10+s3], $0x80, v4, vm0, $0xb8;
	[tilespmem:$0x1CA00] =	vst v63  }
0xeb: {  	s26 =	simm.s32 $0x4200  }
0xec: {  	[tilespmem:s26], [sflag:$0x1] =	stream.indirect_vreg.gather [hbm4b:s11+s3], $0x80, v4, vm0, $0xb8;
	[tilespmem:$0x1CA00] =	vst v63  }
0xed: {  	s28 =	simm.s32 $0x4A00  }
0xee: {  	[tilespmem:s28], [sflag:$0x1] =	stream.indirect_vreg.gather [hbm4b:s2+s3], $0x80, v3, vm0, $0xb8;
	[tilespmem:$0x1CA00] =	vst v63  }
0xef: {  	s29 =	simm.s32 $0x5200  }
0xf0: {  	[tilespmem:s29], [sflag:$0x1] =	stream.indirect_vreg.gather [hbm4b:s5+s3], $0x80, v3, vm0, $0xb8;
	[tilespmem:$0x1CA00] =	vst v63  }
0xf1: {  	s31 =	simm.s32 $0x5A00  }
0xf2: {  	[tilespmem:s31], [sflag:$0x1] =	stream.indirect_vreg.gather [hbm4b:s6+s3], $0x80, v3, vm0, $0xb8;
	[tilespmem:$0x1CA00] =	vst v63  }
0xf3: {  	s1 =	simm.s32 $0x6200  }
0xf4: {  	[tilespmem:s1], [sflag:$0x1] =	stream.indirect_vreg.gather [hbm4b:s7+s3], $0x80, v3, vm0, $0xb8;
	[tilespmem:$0x1CA00] =	vst v63  }
0xf5: {  	s12 =	simm.s32 $0x6A00  }
0xf6: {  	[tilespmem:s12], [sflag:$0x1] =	stream.indirect_vreg.gather [hbm4b:s8+s3], $0x80, v3, vm0, $0xb8;
	[tilespmem:$0x1CA00] =	vst v63  }
0xf7: {  	s14 =	simm.s32 $0x7200  }
0xf8: {  	[tilespmem:s14], [sflag:$0x1] =	stream.indirect_vreg.gather [hbm4b:s9+s3], $0x80, v3, vm0, $0xb8;
	[tilespmem:$0x1CA00] =	vst v63  }
0xf9: {  	s17 =	simm.s32 $0x7A00  }
0xfa: {  	[tilespmem:s17], [sflag:$0x1] =	stream.indirect_vreg.gather [hbm4b:s10+s3], $0x80, v3, vm0, $0xb8;
	[tilespmem:$0x1CA00] =	vst v63  }
0xfb: {  	s4 =	simm.s32 $0x8200  }
0xfc: {  	[tilespmem:s4], [sflag:$0x1] =	stream.indirect_vreg.gather [hbm4b:s11+s3], $0x80, v3, vm0, $0xb8;
	[tilespmem:$0x1CA00] =	vst v63  }
0xfd: {  	v3 =	vld [tilespmem:$0x310];
	_ =	sdelay $0x4  }
0xfe: {  	v51 =	vshll.u32 v3, $0x4  }
0xff: {  	v3 =	vand.u32 $0x7, v3;
	v4 =	vand.u32 $0xFFFFFF80, v51  }
0x100: {  	v3 =	vor.u32 v3, v4  }
0x101: {  	v4 =	vperm.xlane v3, v0;
	_ =	sdelay $0x1  }
0x102: {  	v4 =	vadd.s32 v1, v4;
	_ =	sdelay $0x3  }
0x103: {  	s18 =	simm.s32 $0x8A00  }
0x104: {  	[tilespmem:s18], [sflag:$0x1] =	stream.indirect_vreg.gather [hbm4b:s2+s3], $0x80, v4, vm0, $0xb8;
	[tilespmem:$0x1CA00] =	vst v63  }
0x105: {  	s19 =	simm.s32 $0x9200  }
0x106: {  	[tilespmem:s19], [sflag:$0x1] =	stream.indirect_vreg.gather [hbm4b:s5+s3], $0x80, v4, vm0, $0xb8;
	[tilespmem:$0x1CA00] =	vst v63  }
0x107: {  	s20 =	simm.s32 $0x9A00  }
0x108: {  	[tilespmem:s20], [sflag:$0x1] =	stream.indirect_vreg.gather [hbm4b:s6+s3], $0x80, v4, vm0, $0xb8;
	[tilespmem:$0x1CA00] =	vst v63  }
0x109: {  	s21 =	simm.s32 $0xA200  }
0x10a: {  	[tilespmem:s21], [sflag:$0x1] =	stream.indirect_vreg.gather [hbm4b:s7+s3], $0x80, v4, vm0, $0xb8;
	[tilespmem:$0x1CA00] =	vst v63  }
0x10b: {  	s16 =	simm.s32 $0xAA00  }
0x10c: {  	[tilespmem:s16], [sflag:$0x1] =	stream.indirect_vreg.gather [hbm4b:s8+s3], $0x80, v4, vm0, $0xb8;
	[tilespmem:$0x1CA00] =	vst v63  }
0x10d: {  	s13 =	simm.s32 $0xB200;
	v3 =	vperm.xlane v3, v2  }
0x10e: {  	[tilespmem:s13], [sflag:$0x1] =	stream.indirect_vreg.gather [hbm4b:s9+s3], $0x80, v4, vm0, $0xb8;
	[tilespmem:$0x1CA00] =	vst v63  }
0x10f: {  	s22 =	simm.s32 $0xBA00;
	v3 =	vadd.s32 v1, v3  }
0x110: {  	[tilespmem:s22], [sflag:$0x1] =	stream.indirect_vreg.gather [hbm4b:s10+s3], $0x80, v4, vm0, $0xb8;
	[tilespmem:$0x1CA00] =	vst v63  }
0x111: {  	s23 =	simm.s32 $0xC200  }
0x112: {  	[tilespmem:s23], [sflag:$0x1] =	stream.indirect_vreg.gather [hbm4b:s11+s3], $0x80, v4, vm0, $0xb8;
	[tilespmem:$0x1CA00] =	vst v63  }
0x113: {  	s24 =	simm.s32 $0xCA00  }
0x114: {  	[tilespmem:s24], [sflag:$0x1] =	stream.indirect_vreg.gather [hbm4b:s2+s3], $0x80, v3, vm0, $0xb8;
	[tilespmem:$0x1CA00] =	vst v63  }
0x115: {  	s25 =	simm.s32 $0xD200  }
0x116: {  	[tilespmem:s25], [sflag:$0x1] =	stream.indirect_vreg.gather [hbm4b:s5+s3], $0x80, v3, vm0, $0xb8;
	[tilespmem:$0x1CA00] =	vst v63  }
0x117: {  	s26 =	simm.s32 $0xDA00  }
0x118: {  	[tilespmem:s26], [sflag:$0x1] =	stream.indirect_vreg.gather [hbm4b:s6+s3], $0x80, v3, vm0, $0xb8;
	[tilespmem:$0x1CA00] =	vst v63  }
0x119: {  	s28 =	simm.s32 $0xE200  }
0x11a: {  	[tilespmem:s28], [sflag:$0x1] =	stream.indirect_vreg.gather [hbm4b:s7+s3], $0x80, v3, vm0, $0xb8;
	[tilespmem:$0x1CA00] =	vst v63  }
0x11b: {  	s29 =	simm.s32 $0xEA00  }
0x11c: {  	[tilespmem:s29], [sflag:$0x1] =	stream.indirect_vreg.gather [hbm4b:s8+s3], $0x80, v3, vm0, $0xb8;
	[tilespmem:$0x1CA00] =	vst v63  }
0x11d: {  	s31 =	simm.s32 $0xF200  }
0x11e: {  	[tilespmem:s31], [sflag:$0x1] =	stream.indirect_vreg.gather [hbm4b:s9+s3], $0x80, v3, vm0, $0xb8;
	[tilespmem:$0x1CA00] =	vst v63  }
0x11f: {  	s1 =	simm.s32 $0xFA00  }
0x120: {  	[tilespmem:s1], [sflag:$0x1] =	stream.indirect_vreg.gather [hbm4b:s10+s3], $0x80, v3, vm0, $0xb8;
	[tilespmem:$0x1CA00] =	vst v63  }
0x121: {  	s4 =	simm.s32 $0x10200;
	s1 =	simm.s32 $0x2  }
0x122: {  	[tilespmem:s4], [sflag:$0x1] =	stream.indirect_vreg.gather [hbm4b:s11+s3], $0x80, v3, vm0, $0xb8;
	[tilespmem:$0x1CA00] =	vst v63  }
0x123: {  	_ =	swait.ge [sflag:s1], $0xC000  }
0x124: {  	s14 =	simm.s32 $0x10A00;
	[sflag:s1] =	ssyncset.done $0x0  }
0x125: {  	s4 =	simm.s32 $0x4;
	s13 =	rddreg [dreg:$0x6];
	[sflag:s1] =	ssyncadd.s32 $0xFFFF4000  }
0x126: {  	[hbm4b:s13+s3] =	stream.linear.scatter [tilespmem:s14], [sflag:$0x4], $0xC000, $0x38;
	[tilespmem:$0x1CA00] =	vst v63  }
0x127: {  	_ =	swait.ge [sflag:s4], $0xC000  }
0x128: {  	[sflag:s4] =	ssyncset.done $0x0  }
0x129: {  	[sflag:s4] =	ssyncadd.s32 $0xFFFF4000  }
0x12a: {  	v3 =	vld [tilespmem:$0x380];
	_ =	sdelay $0x4  }
0x12b: {  	v52 =	vshll.u32 v3, $0x4  }
0x12c: {  	v3 =	vand.u32 $0x7, v3;
	v4 =	vand.u32 $0xFFFFFF80, v52  }
0x12d: {  	v3 =	vor.u32 v3, v4  }
0x12e: {  	v4 =	vperm.xlane v3, v0;
	_ =	sdelay $0x1  }
0x12f: {  	v4 =	vadd.s32 v1, v4;
	_ =	sdelay $0x4  }
0x130: {  	[tilespmem:s14], [sflag:$0x2] =	stream.indirect_vreg.gather [hbm4b:s2+s3], $0x80, v4, vm0, $0xb8;
	[tilespmem:$0x1CA00] =	vst v63  }
0x131: {  	s31 =	simm.s32 $0x11200  }
0x132: {  	[tilespmem:s31], [sflag:$0x2] =	stream.indirect_vreg.gather [hbm4b:s5+s3], $0x80, v4, vm0, $0xb8;
	[tilespmem:$0x1CA00] =	vst v63  }
0x133: {  	s19 =	simm.s32 $0x11A00  }
0x134: {  	[tilespmem:s19], [sflag:$0x2] =	stream.indirect_vreg.gather [hbm4b:s6+s3], $0x80, v4, vm0, $0xb8;
	[tilespmem:$0x1CA00] =	vst v63  }
0x135: {  	s20 =	simm.s32 $0x12200  }
0x136: {  	[tilespmem:s20], [sflag:$0x2] =	stream.indirect_vreg.gather [hbm4b:s7+s3], $0x80, v4, vm0, $0xb8;
	[tilespmem:$0x1CA00] =	vst v63  }
0x137: {  	s16 =	simm.s32 $0x12A00  }
0x138: {  	[tilespmem:s16], [sflag:$0x2] =	stream.indirect_vreg.gather [hbm4b:s8+s3], $0x80, v4, vm0, $0xb8;
	[tilespmem:$0x1CA00] =	vst v63  }
0x139: {  	s17 =	simm.s32 $0x13200;
	v3 =	vperm.xlane v3, v2  }
0x13a: {  	[tilespmem:s17], [sflag:$0x2] =	stream.indirect_vreg.gather [hbm4b:s9+s3], $0x80, v4, vm0, $0xb8;
	[tilespmem:$0x1CA00] =	vst v63  }
0x13b: {  	s21 =	simm.s32 $0x13A00;
	v3 =	vadd.s32 v1, v3  }
0x13c: {  	[tilespmem:s21], [sflag:$0x2] =	stream.indirect_vreg.gather [hbm4b:s10+s3], $0x80, v4, vm0, $0xb8;
	[tilespmem:$0x1CA00] =	vst v63  }
0x13d: {  	s22 =	simm.s32 $0x14200  }
0x13e: {  	[tilespmem:s22], [sflag:$0x2] =	stream.indirect_vreg.gather [hbm4b:s11+s3], $0x80, v4, vm0, $0xb8;
	[tilespmem:$0x1CA00] =	vst v63  }
0x13f: {  	s23 =	simm.s32 $0x14A00  }
0x140: {  	[tilespmem:s23], [sflag:$0x2] =	stream.indirect_vreg.gather [hbm4b:s2+s3], $0x80, v3, vm0, $0xb8;
	[tilespmem:$0x1CA00] =	vst v63  }
0x141: {  	s24 =	simm.s32 $0x15200  }
0x142: {  	[tilespmem:s24], [sflag:$0x2] =	stream.indirect_vreg.gather [hbm4b:s5+s3], $0x80, v3, vm0, $0xb8;
	[tilespmem:$0x1CA00] =	vst v63  }
0x143: {  	s25 =	simm.s32 $0x15A00  }
0x144: {  	[tilespmem:s25], [sflag:$0x2] =	stream.indirect_vreg.gather [hbm4b:s6+s3], $0x80, v3, vm0, $0xb8;
	[tilespmem:$0x1CA00] =	vst v63  }
0x145: {  	s26 =	simm.s32 $0x16200  }
0x146: {  	[tilespmem:s26], [sflag:$0x2] =	stream.indirect_vreg.gather [hbm4b:s7+s3], $0x80, v3, vm0, $0xb8;
	[tilespmem:$0x1CA00] =	vst v63  }
0x147: {  	s28 =	simm.s32 $0x16A00  }
0x148: {  	[tilespmem:s28], [sflag:$0x2] =	stream.indirect_vreg.gather [hbm4b:s8+s3], $0x80, v3, vm0, $0xb8;
	[tilespmem:$0x1CA00] =	vst v63  }
0x149: {  	s18 =	simm.s32 $0x17200  }
0x14a: {  	[tilespmem:s18], [sflag:$0x2] =	stream.indirect_vreg.gather [hbm4b:s9+s3], $0x80, v3, vm0, $0xb8;
	[tilespmem:$0x1CA00] =	vst v63  }
0x14b: {  	s16 =	simm.s32 $0x17A00  }
0x14c: {  	[tilespmem:s16], [sflag:$0x2] =	stream.indirect_vreg.gather [hbm4b:s10+s3], $0x80, v3, vm0, $0xb8;
	[tilespmem:$0x1CA00] =	vst v63  }
0x14d: {  	s29 =	simm.s32 $0x18200  }
0x14e: {  	[tilespmem:s29], [sflag:$0x2] =	stream.indirect_vreg.gather [hbm4b:s11+s3], $0x80, v3, vm0, $0xb8;
	[tilespmem:$0x1CA00] =	vst v63  }
0x14f: {  	v3 =	vld.msk [tilespmem:$0x390], $0xff;
	_ =	sdelay $0x4  }
0x150: {  	v53 =	vshll.u32 v3, $0x4  }
0x151: {  	v3 =	vand.u32 $0x7, v3;
	v4 =	vand.u32 $0xFFFFFF80, v53  }
0x152: {  	v3 =	vor.u32 v3, v4  }
0x153: {  	v3 =	vperm.xlane v3, v0;
	_ =	sdelay $0x1  }
0x154: {  	v3 =	vadd.s32 v1, v3;
	_ =	sdelay $0x3  }
0x155: {  	s17 =	simm.s32 $0x18A00  }
0x156: {  	[tilespmem:s17], [sflag:$0x2] =	stream.indirect_vreg.gather [hbm4b:s2+s3], $0x80, v3, vm0, $0xb8;
	[tilespmem:$0x1CA00] =	vst v63  }
0x157: {  	s18 =	simm.s32 $0x19200  }
0x158: {  	[tilespmem:s18], [sflag:$0x2] =	stream.indirect_vreg.gather [hbm4b:s5+s3], $0x80, v3, vm0, $0xb8;
	[tilespmem:$0x1CA00] =	vst v63  }
0x159: {  	s14 =	simm.s32 $0x19A00  }
0x15a: {  	[tilespmem:s14], [sflag:$0x2] =	stream.indirect_vreg.gather [hbm4b:s6+s3], $0x80, v3, vm0, $0xb8;
	[tilespmem:$0x1CA00] =	vst v63  }
0x15b: {  	s13 =	simm.s32 $0x1A200  }
0x15c: {  	[tilespmem:s13], [sflag:$0x2] =	stream.indirect_vreg.gather [hbm4b:s7+s3], $0x80, v3, vm0, $0xb8;
	[tilespmem:$0x1CA00] =	vst v63  }
0x15d: {  	s13 =	simm.s32 $0x1AA00  }
0x15e: {  	[tilespmem:s13], [sflag:$0x2] =	stream.indirect_vreg.gather [hbm4b:s8+s3], $0x80, v3, vm0, $0xb8;
	[tilespmem:$0x1CA00] =	vst v63  }
0x15f: {  	s29 =	simm.s32 $0x1B200  }
0x160: {  	[tilespmem:s29], [sflag:$0x2] =	stream.indirect_vreg.gather [hbm4b:s9+s3], $0x80, v3, vm0, $0xb8;
	[tilespmem:$0x1CA00] =	vst v63  }
0x161: {  	s29 =	simm.s32 $0x1BA00  }
0x162: {  	[tilespmem:s29], [sflag:$0x2] =	stream.indirect_vreg.gather [hbm4b:s10+s3], $0x80, v3, vm0, $0xb8;
	[tilespmem:$0x1CA00] =	vst v63  }
0x163: {  	s29 =	simm.s32 $0x1C200  }
0x164: {  	[tilespmem:s29], [sflag:$0x2] =	stream.indirect_vreg.gather [hbm4b:s11+s3], $0x80, v3, vm0, $0xb8;
	[tilespmem:$0x1CA00] =	vst v63  }
0x165: {  	_ =	swait.ge [sflag:s15], $0x10000  }
0x166: {  	[sflag:s15] =	ssyncset.done $0x0  }
0x167: {  	s29 =	simm.s32 $0xA00;
	s0 =	rddreg [dreg:$0x7];
	[sflag:s15] =	ssyncadd.s32 $0xFFFF0000  }
0x168: {  	[hbm4b:s0+s3] =	stream.linear.scatter [tilespmem:s29], [sflag:$0x3], $0x10000, $0x38;
	[tilespmem:$0x1CA00] =	vst v63  }
0x169: {  	_ =	swait.ge [sflag:s30], $0x10000  }
0x16a: {  	[sflag:s30] =	ssyncset.done $0x0  }
0x16b: {  	[sflag:s30] =	ssyncadd.s32 $0xFFFF0000  }
0x16c: {  	v3 =	vld [tilespmem:$0x400];
	_ =	sdelay $0x4  }
0x16d: {  	v54 =	vshll.u32 v3, $0x4  }
0x16e: {  	v3 =	vand.u32 $0x7, v3;
	v4 =	vand.u32 $0xFFFFFF80, v54  }
0x16f: {  	v3 =	vor.u32 v3, v4  }
0x170: {  	v4 =	vperm.xlane v3, v0;
	_ =	sdelay $0x1  }
0x171: {  	v4 =	vadd.s32 v1, v4;
	_ =	sdelay $0x4  }
0x172: {  	[tilespmem:s29], [sflag:$0x1] =	stream.indirect_vreg.gather [hbm4b:s2+s3], $0x80, v4, vm0, $0xb8;
	[tilespmem:$0x1CA00] =	vst v63  }
0x173: {  	s29 =	simm.s32 $0x1200  }
0x174: {  	[tilespmem:s29], [sflag:$0x1] =	stream.indirect_vreg.gather [hbm4b:s5+s3], $0x80, v4, vm0, $0xb8;
	[tilespmem:$0x1CA00] =	vst v63  }
0x175: {  	s29 =	simm.s32 $0x1A00  }
0x176: {  	[tilespmem:s29], [sflag:$0x1] =	stream.indirect_vreg.gather [hbm4b:s6+s3], $0x80, v4, vm0, $0xb8;
	[tilespmem:$0x1CA00] =	vst v63  }
0x177: {  	s29 =	simm.s32 $0x2200  }
0x178: {  	[tilespmem:s29], [sflag:$0x1] =	stream.indirect_vreg.gather [hbm4b:s7+s3], $0x80, v4, vm0, $0xb8;
	[tilespmem:$0x1CA00] =	vst v63  }
0x179: {  	s29 =	simm.s32 $0x2A00  }
0x17a: {  	[tilespmem:s29], [sflag:$0x1] =	stream.indirect_vreg.gather [hbm4b:s8+s3], $0x80, v4, vm0, $0xb8;
	[tilespmem:$0x1CA00] =	vst v63  }
0x17b: {  	s0 =	simm.s32 $0x3200;
	v3 =	vperm.xlane v3, v2  }
0x17c: {  	[tilespmem:s0], [sflag:$0x1] =	stream.indirect_vreg.gather [hbm4b:s9+s3], $0x80, v4, vm0, $0xb8;
	[tilespmem:$0x1CA00] =	vst v63  }
0x17d: {  	v3 =	vadd.s32 v1, v3;
	s0 =	simm.s32 $0x3A00  }
0x17e: {  	[tilespmem:s0], [sflag:$0x1] =	stream.indirect_vreg.gather [hbm4b:s10+s3], $0x80, v4, vm0, $0xb8;
	[tilespmem:$0x1CA00] =	vst v63  }
0x17f: {  	s0 =	simm.s32 $0x4200  }
0x180: {  	[tilespmem:s0], [sflag:$0x1] =	stream.indirect_vreg.gather [hbm4b:s11+s3], $0x80, v4, vm0, $0xb8;
	[tilespmem:$0x1CA00] =	vst v63  }
0x181: {  	s0 =	simm.s32 $0x4A00  }
0x182: {  	[tilespmem:s0], [sflag:$0x1] =	stream.indirect_vreg.gather [hbm4b:s2+s3], $0x80, v3, vm0, $0xb8;
	[tilespmem:$0x1CA00] =	vst v63  }
0x183: {  	s0 =	simm.s32 $0x5200  }
0x184: {  	[tilespmem:s0], [sflag:$0x1] =	stream.indirect_vreg.gather [hbm4b:s5+s3], $0x80, v3, vm0, $0xb8;
	[tilespmem:$0x1CA00] =	vst v63  }
0x185: {  	s0 =	simm.s32 $0x5A00  }
0x186: {  	[tilespmem:s0], [sflag:$0x1] =	stream.indirect_vreg.gather [hbm4b:s6+s3], $0x80, v3, vm0, $0xb8;
	[tilespmem:$0x1CA00] =	vst v63  }
0x187: {  	s0 =	simm.s32 $0x6200  }
0x188: {  	[tilespmem:s0], [sflag:$0x1] =	stream.indirect_vreg.gather [hbm4b:s7+s3], $0x80, v3, vm0, $0xb8;
	[tilespmem:$0x1CA00] =	vst v63  }
0x189: {  	s0 =	simm.s32 $0x6A00  }
0x18a: {  	[tilespmem:s0], [sflag:$0x1] =	stream.indirect_vreg.gather [hbm4b:s8+s3], $0x80, v3, vm0, $0xb8;
	[tilespmem:$0x1CA00] =	vst v63  }
0x18b: {  	s0 =	simm.s32 $0x7200  }
0x18c: {  	[tilespmem:s0], [sflag:$0x1] =	stream.indirect_vreg.gather [hbm4b:s9+s3], $0x80, v3, vm0, $0xb8;
	[tilespmem:$0x1CA00] =	vst v63  }
0x18d: {  	s0 =	simm.s32 $0x7A00  }
0x18e: {  	[tilespmem:s0], [sflag:$0x1] =	stream.indirect_vreg.gather [hbm4b:s10+s3], $0x80, v3, vm0, $0xb8;
	[tilespmem:$0x1CA00] =	vst v63  }
0x18f: {  	s0 =	simm.s32 $0x8200  }
0x190: {  	[tilespmem:s0], [sflag:$0x1] =	stream.indirect_vreg.gather [hbm4b:s11+s3], $0x80, v3, vm0, $0xb8;
	[tilespmem:$0x1CA00] =	vst v63  }
0x191: {  	v3 =	vld [tilespmem:$0x410];
	_ =	sdelay $0x4  }
0x192: {  	v55 =	vshll.u32 v3, $0x4  }
0x193: {  	v3 =	vand.u32 $0x7, v3;
	v4 =	vand.u32 $0xFFFFFF80, v55  }
0x194: {  	v3 =	vor.u32 v3, v4  }
0x195: {  	v4 =	vperm.xlane v3, v0;
	_ =	sdelay $0x1  }
0x196: {  	v4 =	vadd.s32 v1, v4;
	_ =	sdelay $0x3  }
0x197: {  	s0 =	simm.s32 $0x8A00  }
0x198: {  	[tilespmem:s0], [sflag:$0x1] =	stream.indirect_vreg.gather [hbm4b:s2+s3], $0x80, v4, vm0, $0xb8;
	[tilespmem:$0x1CA00] =	vst v63  }
0x199: {  	s0 =	simm.s32 $0x9200  }
0x19a: {  	[tilespmem:s0], [sflag:$0x1] =	stream.indirect_vreg.gather [hbm4b:s5+s3], $0x80, v4, vm0, $0xb8;
	[tilespmem:$0x1CA00] =	vst v63  }
0x19b: {  	s0 =	simm.s32 $0x9A00  }
0x19c: {  	[tilespmem:s0], [sflag:$0x1] =	stream.indirect_vreg.gather [hbm4b:s6+s3], $0x80, v4, vm0, $0xb8;
	[tilespmem:$0x1CA00] =	vst v63  }
0x19d: {  	s12 =	simm.s32 $0xA200  }
0x19e: {  	[tilespmem:s12], [sflag:$0x1] =	stream.indirect_vreg.gather [hbm4b:s7+s3], $0x80, v4, vm0, $0xb8;
	[tilespmem:$0x1CA00] =	vst v63  }
0x19f: {  	s12 =	simm.s32 $0xAA00  }
0x1a0: {  	[tilespmem:s12], [sflag:$0x1] =	stream.indirect_vreg.gather [hbm4b:s8+s3], $0x80, v4, vm0, $0xb8;
	[tilespmem:$0x1CA00] =	vst v63  }
0x1a1: {  	v3 =	vperm.xlane v3, v2;
	s12 =	simm.s32 $0xB200  }
0x1a2: {  	[tilespmem:s12], [sflag:$0x1] =	stream.indirect_vreg.gather [hbm4b:s9+s3], $0x80, v4, vm0, $0xb8;
	[tilespmem:$0x1CA00] =	vst v63  }
0x1a3: {  	v3 =	vadd.s32 v1, v3;
	s12 =	simm.s32 $0xBA00  }
0x1a4: {  	[tilespmem:s12], [sflag:$0x1] =	stream.indirect_vreg.gather [hbm4b:s10+s3], $0x80, v4, vm0, $0xb8;
	[tilespmem:$0x1CA00] =	vst v63  }
0x1a5: {  	s12 =	simm.s32 $0xC200  }
0x1a6: {  	[tilespmem:s12], [sflag:$0x1] =	stream.indirect_vreg.gather [hbm4b:s11+s3], $0x80, v4, vm0, $0xb8;
	[tilespmem:$0x1CA00] =	vst v63  }
0x1a7: {  	s12 =	simm.s32 $0xCA00  }
0x1a8: {  	[tilespmem:s12], [sflag:$0x1] =	stream.indirect_vreg.gather [hbm4b:s2+s3], $0x80, v3, vm0, $0xb8;
	[tilespmem:$0x1CA00] =	vst v63  }
0x1a9: {  	s12 =	simm.s32 $0xD200  }
0x1aa: {  	[tilespmem:s12], [sflag:$0x1] =	stream.indirect_vreg.gather [hbm4b:s5+s3], $0x80, v3, vm0, $0xb8;
	[tilespmem:$0x1CA00] =	vst v63  }
0x1ab: {  	s12 =	simm.s32 $0xDA00  }
0x1ac: {  	[tilespmem:s12], [sflag:$0x1] =	stream.indirect_vreg.gather [hbm4b:s6+s3], $0x80, v3, vm0, $0xb8;
	[tilespmem:$0x1CA00] =	vst v63  }
0x1ad: {  	s12 =	simm.s32 $0xE200  }
0x1ae: {  	[tilespmem:s12], [sflag:$0x1] =	stream.indirect_vreg.gather [hbm4b:s7+s3], $0x80, v3, vm0, $0xb8;
	[tilespmem:$0x1CA00] =	vst v63  }
0x1af: {  	s12 =	simm.s32 $0xEA00  }
0x1b0: {  	[tilespmem:s12], [sflag:$0x1] =	stream.indirect_vreg.gather [hbm4b:s8+s3], $0x80, v3, vm0, $0xb8;
	[tilespmem:$0x1CA00] =	vst v63  }
0x1b1: {  	s12 =	simm.s32 $0xF200  }
0x1b2: {  	[tilespmem:s12], [sflag:$0x1] =	stream.indirect_vreg.gather [hbm4b:s9+s3], $0x80, v3, vm0, $0xb8;
	[tilespmem:$0x1CA00] =	vst v63  }
0x1b3: {  	s12 =	simm.s32 $0xFA00  }
0x1b4: {  	[tilespmem:s12], [sflag:$0x1] =	stream.indirect_vreg.gather [hbm4b:s10+s3], $0x80, v3, vm0, $0xb8;
	[tilespmem:$0x1CA00] =	vst v63  }
0x1b5: {  	s12 =	simm.s32 $0x10200  }
0x1b6: {  	[tilespmem:s12], [sflag:$0x1] =	stream.indirect_vreg.gather [hbm4b:s11+s3], $0x80, v3, vm0, $0xb8;
	[tilespmem:$0x1CA00] =	vst v63  }
0x1b7: {  	_ =	swait.ge [sflag:s1], $0xC000  }
0x1b8: {  	[sflag:s1] =	ssyncset.done $0x0  }
0x1b9: {  	s12 =	simm.s32 $0x10A00;
	s0 =	rddreg [dreg:$0x8];
	[sflag:s1] =	ssyncadd.s32 $0xFFFF4000  }
0x1ba: {  	[hbm4b:s0+s3] =	stream.linear.scatter [tilespmem:s12], [sflag:$0x4], $0xC000, $0x38;
	[tilespmem:$0x1CA00] =	vst v63  }
0x1bb: {  	_ =	swait.ge [sflag:s4], $0xC000  }
0x1bc: {  	[sflag:s4] =	ssyncset.done $0x0  }
0x1bd: {  	[sflag:s4] =	ssyncadd.s32 $0xFFFF4000  }
0x1be: {  	v3 =	vld [tilespmem:$0x480];
	_ =	sdelay $0x4  }
0x1bf: {  	v56 =	vshll.u32 v3, $0x4  }
0x1c0: {  	v3 =	vand.u32 $0x7, v3;
	v4 =	vand.u32 $0xFFFFFF80, v56  }
0x1c1: {  	v3 =	vor.u32 v3, v4  }
0x1c2: {  	v4 =	vperm.xlane v3, v0;
	_ =	sdelay $0x1  }
0x1c3: {  	v4 =	vadd.s32 v1, v4;
	_ =	sdelay $0x4  }
0x1c4: {  	[tilespmem:s12], [sflag:$0x2] =	stream.indirect_vreg.gather [hbm4b:s2+s3], $0x80, v4, vm0, $0xb8;
	[tilespmem:$0x1CA00] =	vst v63  }
0x1c5: {  	_ = 	snop  }
0x1c6: {  	[tilespmem:s31], [sflag:$0x2] =	stream.indirect_vreg.gather [hbm4b:s5+s3], $0x80, v4, vm0, $0xb8;
	[tilespmem:$0x1CA00] =	vst v63  }
0x1c7: {  	_ = 	snop  }
0x1c8: {  	[tilespmem:s19], [sflag:$0x2] =	stream.indirect_vreg.gather [hbm4b:s6+s3], $0x80, v4, vm0, $0xb8;
	[tilespmem:$0x1CA00] =	vst v63  }
0x1c9: {  	_ = 	snop  }
0x1ca: {  	[tilespmem:s20], [sflag:$0x2] =	stream.indirect_vreg.gather [hbm4b:s7+s3], $0x80, v4, vm0, $0xb8;
	[tilespmem:$0x1CA00] =	vst v63  }
0x1cb: {  	s19 =	simm.s32 $0x12A00  }
0x1cc: {  	[tilespmem:s19], [sflag:$0x2] =	stream.indirect_vreg.gather [hbm4b:s8+s3], $0x80, v4, vm0, $0xb8;
	[tilespmem:$0x1CA00] =	vst v63  }
0x1cd: {  	v3 =	vperm.xlane v3, v2;
	s20 =	simm.s32 $0x13200  }
0x1ce: {  	[tilespmem:s20], [sflag:$0x2] =	stream.indirect_vreg.gather [hbm4b:s9+s3], $0x80, v4, vm0, $0xb8;
	[tilespmem:$0x1CA00] =	vst v63  }
0x1cf: {  	v3 =	vadd.s32 v1, v3  }
0x1d0: {  	[tilespmem:s21], [sflag:$0x2] =	stream.indirect_vreg.gather [hbm4b:s10+s3], $0x80, v4, vm0, $0xb8;
	[tilespmem:$0x1CA00] =	vst v63  }
0x1d1: {  	_ = 	snop  }
0x1d2: {  	[tilespmem:s22], [sflag:$0x2] =	stream.indirect_vreg.gather [hbm4b:s11+s3], $0x80, v4, vm0, $0xb8;
	[tilespmem:$0x1CA00] =	vst v63  }
0x1d3: {  	_ = 	snop  }
0x1d4: {  	[tilespmem:s23], [sflag:$0x2] =	stream.indirect_vreg.gather [hbm4b:s2+s3], $0x80, v3, vm0, $0xb8;
	[tilespmem:$0x1CA00] =	vst v63  }
0x1d5: {  	_ = 	snop  }
0x1d6: {  	[tilespmem:s24], [sflag:$0x2] =	stream.indirect_vreg.gather [hbm4b:s5+s3], $0x80, v3, vm0, $0xb8;
	[tilespmem:$0x1CA00] =	vst v63  }
0x1d7: {  	_ = 	snop  }
0x1d8: {  	[tilespmem:s25], [sflag:$0x2] =	stream.indirect_vreg.gather [hbm4b:s6+s3], $0x80, v3, vm0, $0xb8;
	[tilespmem:$0x1CA00] =	vst v63  }
0x1d9: {  	_ = 	snop  }
0x1da: {  	[tilespmem:s26], [sflag:$0x2] =	stream.indirect_vreg.gather [hbm4b:s7+s3], $0x80, v3, vm0, $0xb8;
	[tilespmem:$0x1CA00] =	vst v63  }
0x1db: {  	_ = 	snop  }
0x1dc: {  	[tilespmem:s28], [sflag:$0x2] =	stream.indirect_vreg.gather [hbm4b:s8+s3], $0x80, v3, vm0, $0xb8;
	[tilespmem:$0x1CA00] =	vst v63  }
0x1dd: {  	s24 =	simm.s32 $0x17200  }
0x1de: {  	[tilespmem:s24], [sflag:$0x2] =	stream.indirect_vreg.gather [hbm4b:s9+s3], $0x80, v3, vm0, $0xb8;
	[tilespmem:$0x1CA00] =	vst v63  }
0x1df: {  	_ = 	snop  }
0x1e0: {  	[tilespmem:s16], [sflag:$0x2] =	stream.indirect_vreg.gather [hbm4b:s10+s3], $0x80, v3, vm0, $0xb8;
	[tilespmem:$0x1CA00] =	vst v63  }
0x1e1: {  	s25 =	simm.s32 $0x18200  }
0x1e2: {  	[tilespmem:s25], [sflag:$0x2] =	stream.indirect_vreg.gather [hbm4b:s11+s3], $0x80, v3, vm0, $0xb8;
	[tilespmem:$0x1CA00] =	vst v63  }
0x1e3: {  	v3 =	vld.msk [tilespmem:$0x490], $0xff;
	_ =	sdelay $0x4  }
0x1e4: {  	v57 =	vshll.u32 v3, $0x4  }
0x1e5: {  	v3 =	vand.u32 $0x7, v3;
	v4 =	vand.u32 $0xFFFFFF80, v57  }
0x1e6: {  	v3 =	vor.u32 v3, v4  }
0x1e7: {  	v3 =	vperm.xlane v3, v0;
	_ =	sdelay $0x1  }
0x1e8: {  	v3 =	vadd.s32 v1, v3;
	_ =	sdelay $0x4  }
0x1e9: {  	[tilespmem:s17], [sflag:$0x2] =	stream.indirect_vreg.gather [hbm4b:s2+s3], $0x80, v3, vm0, $0xb8;
	[tilespmem:$0x1CA00] =	vst v63  }
0x1ea: {  	_ = 	snop  }
0x1eb: {  	[tilespmem:s18], [sflag:$0x2] =	stream.indirect_vreg.gather [hbm4b:s5+s3], $0x80, v3, vm0, $0xb8;
	[tilespmem:$0x1CA00] =	vst v63  }
0x1ec: {  	_ = 	snop  }
0x1ed: {  	[tilespmem:s14], [sflag:$0x2] =	stream.indirect_vreg.gather [hbm4b:s6+s3], $0x80, v3, vm0, $0xb8;
	[tilespmem:$0x1CA00] =	vst v63  }
0x1ee: {  	s26 =	simm.s32 $0x1A200  }
0x1ef: {  	[tilespmem:s26], [sflag:$0x2] =	stream.indirect_vreg.gather [hbm4b:s7+s3], $0x80, v3, vm0, $0xb8;
	[tilespmem:$0x1CA00] =	vst v63  }
0x1f0: {  	_ = 	snop  }
0x1f1: {  	[tilespmem:s13], [sflag:$0x2] =	stream.indirect_vreg.gather [hbm4b:s8+s3], $0x80, v3, vm0, $0xb8;
	[tilespmem:$0x1CA00] =	vst v63  }
0x1f2: {  	s28 =	simm.s32 $0x1B200  }
0x1f3: {  	[tilespmem:s28], [sflag:$0x2] =	stream.indirect_vreg.gather [hbm4b:s9+s3], $0x80, v3, vm0, $0xb8;
	[tilespmem:$0x1CA00] =	vst v63  }
0x1f4: {  	s31 =	simm.s32 $0x1BA00  }
0x1f5: {  	[tilespmem:s31], [sflag:$0x2] =	stream.indirect_vreg.gather [hbm4b:s10+s3], $0x80, v3, vm0, $0xb8;
	[tilespmem:$0x1CA00] =	vst v63  }
0x1f6: {  	s12 =	simm.s32 $0x1C200  }
0x1f7: {  	[tilespmem:s12], [sflag:$0x2] =	stream.indirect_vreg.gather [hbm4b:s11+s3], $0x80, v3, vm0, $0xb8;
	[tilespmem:$0x1CA00] =	vst v63  }
0x1f8: {  	_ =	swait.ge [sflag:s15], $0x10000  }
0x1f9: {  	[sflag:s15] =	ssyncset.done $0x0  }
0x1fa: {  	s16 =	simm.s32 $0xA00;
	s13 =	rddreg [dreg:$0x9];
	[sflag:s15] =	ssyncadd.s32 $0xFFFF0000  }
0x1fb: {  	[hbm4b:s13+s3] =	stream.linear.scatter [tilespmem:s16], [sflag:$0x3], $0x10000, $0x38;
	[tilespmem:$0x1CA00] =	vst v63  }
0x1fc: {  	_ =	swait.ge [sflag:s30], $0x10000  }
0x1fd: {  	[sflag:s30] =	ssyncset.done $0x0  }
0x1fe: {  	[sflag:s30] =	ssyncadd.s32 $0xFFFF0000  }
0x1ff: {  	v3 =	vld [tilespmem:$0x500];
	_ =	sdelay $0x4  }
0x200: {  	v58 =	vshll.u32 v3, $0x4  }
0x201: {  	v3 =	vand.u32 $0x7, v3;
	v4 =	vand.u32 $0xFFFFFF80, v58  }
0x202: {  	v3 =	vor.u32 v3, v4  }
0x203: {  	v4 =	vperm.xlane v3, v0;
	_ =	sdelay $0x1  }
0x204: {  	v4 =	vadd.s32 v1, v4;
	_ =	sdelay $0x4  }
0x205: {  	[tilespmem:s16], [sflag:$0x1] =	stream.indirect_vreg.gather [hbm4b:s2+s3], $0x80, v4, vm0, $0xb8;
	[tilespmem:$0x1CA00] =	vst v63  }
0x206: {  	s17 =	simm.s32 $0x1200  }
0x207: {  	[tilespmem:s17], [sflag:$0x1] =	stream.indirect_vreg.gather [hbm4b:s5+s3], $0x80, v4, vm0, $0xb8;
	[tilespmem:$0x1CA00] =	vst v63  }
0x208: {  	s18 =	simm.s32 $0x1A00  }
0x209: {  	[tilespmem:s18], [sflag:$0x1] =	stream.indirect_vreg.gather [hbm4b:s6+s3], $0x80, v4, vm0, $0xb8;
	[tilespmem:$0x1CA00] =	vst v63  }
0x20a: {  	s19 =	simm.s32 $0x2200  }
0x20b: {  	[tilespmem:s19], [sflag:$0x1] =	stream.indirect_vreg.gather [hbm4b:s7+s3], $0x80, v4, vm0, $0xb8;
	[tilespmem:$0x1CA00] =	vst v63  }
0x20c: {  	_ = 	snop  }
0x20d: {  	[tilespmem:s29], [sflag:$0x1] =	stream.indirect_vreg.gather [hbm4b:s8+s3], $0x80, v4, vm0, $0xb8;
	[tilespmem:$0x1CA00] =	vst v63  }
0x20e: {  	s20 =	simm.s32 $0x3200;
	v3 =	vperm.xlane v3, v2  }
0x20f: {  	[tilespmem:s20], [sflag:$0x1] =	stream.indirect_vreg.gather [hbm4b:s9+s3], $0x80, v4, vm0, $0xb8;
	[tilespmem:$0x1CA00] =	vst v63  }
0x210: {  	s21 =	simm.s32 $0x3A00;
	v3 =	vadd.s32 v1, v3  }
0x211: {  	[tilespmem:s21], [sflag:$0x1] =	stream.indirect_vreg.gather [hbm4b:s10+s3], $0x80, v4, vm0, $0xb8;
	[tilespmem:$0x1CA00] =	vst v63  }
0x212: {  	s22 =	simm.s32 $0x4200  }
0x213: {  	[tilespmem:s22], [sflag:$0x1] =	stream.indirect_vreg.gather [hbm4b:s11+s3], $0x80, v4, vm0, $0xb8;
	[tilespmem:$0x1CA00] =	vst v63  }
0x214: {  	s23 =	simm.s32 $0x4A00  }
0x215: {  	[tilespmem:s23], [sflag:$0x1] =	stream.indirect_vreg.gather [hbm4b:s2+s3], $0x80, v3, vm0, $0xb8;
	[tilespmem:$0x1CA00] =	vst v63  }
0x216: {  	s24 =	simm.s32 $0x5200  }
0x217: {  	[tilespmem:s24], [sflag:$0x1] =	stream.indirect_vreg.gather [hbm4b:s5+s3], $0x80, v3, vm0, $0xb8;
	[tilespmem:$0x1CA00] =	vst v63  }
0x218: {  	s25 =	simm.s32 $0x5A00  }
0x219: {  	[tilespmem:s25], [sflag:$0x1] =	stream.indirect_vreg.gather [hbm4b:s6+s3], $0x80, v3, vm0, $0xb8;
	[tilespmem:$0x1CA00] =	vst v63  }
0x21a: {  	s28 =	simm.s32 $0x6200  }
0x21b: {  	[tilespmem:s28], [sflag:$0x1] =	stream.indirect_vreg.gather [hbm4b:s7+s3], $0x80, v3, vm0, $0xb8;
	[tilespmem:$0x1CA00] =	vst v63  }
0x21c: {  	s13 =	simm.s32 $0x6A00  }
0x21d: {  	[tilespmem:s13], [sflag:$0x1] =	stream.indirect_vreg.gather [hbm4b:s8+s3], $0x80, v3, vm0, $0xb8;
	[tilespmem:$0x1CA00] =	vst v63  }
0x21e: {  	s16 =	simm.s32 $0x7200  }
0x21f: {  	[tilespmem:s16], [sflag:$0x1] =	stream.indirect_vreg.gather [hbm4b:s9+s3], $0x80, v3, vm0, $0xb8;
	[tilespmem:$0x1CA00] =	vst v63  }
0x220: {  	s17 =	simm.s32 $0x7A00  }
0x221: {  	[tilespmem:s17], [sflag:$0x1] =	stream.indirect_vreg.gather [hbm4b:s10+s3], $0x80, v3, vm0, $0xb8;
	[tilespmem:$0x1CA00] =	vst v63  }
0x222: {  	s18 =	simm.s32 $0x8200  }
0x223: {  	[tilespmem:s18], [sflag:$0x1] =	stream.indirect_vreg.gather [hbm4b:s11+s3], $0x80, v3, vm0, $0xb8;
	[tilespmem:$0x1CA00] =	vst v63  }
0x224: {  	v3 =	vld [tilespmem:$0x510];
	_ =	sdelay $0x4  }
0x225: {  	v59 =	vshll.u32 v3, $0x4  }
0x226: {  	v3 =	vand.u32 $0x7, v3;
	v4 =	vand.u32 $0xFFFFFF80, v59  }
0x227: {  	v3 =	vor.u32 v3, v4  }
0x228: {  	v4 =	vperm.xlane v3, v0;
	_ =	sdelay $0x1  }
0x229: {  	v4 =	vadd.s32 v1, v4;
	_ =	sdelay $0x3  }
0x22a: {  	s23 =	simm.s32 $0x8A00  }
0x22b: {  	[tilespmem:s23], [sflag:$0x1] =	stream.indirect_vreg.gather [hbm4b:s2+s3], $0x80, v4, vm0, $0xb8;
	[tilespmem:$0x1CA00] =	vst v63  }
0x22c: {  	s24 =	simm.s32 $0x9200  }
0x22d: {  	[tilespmem:s24], [sflag:$0x1] =	stream.indirect_vreg.gather [hbm4b:s5+s3], $0x80, v4, vm0, $0xb8;
	[tilespmem:$0x1CA00] =	vst v63  }
0x22e: {  	s25 =	simm.s32 $0x9A00  }
0x22f: {  	[tilespmem:s25], [sflag:$0x1] =	stream.indirect_vreg.gather [hbm4b:s6+s3], $0x80, v4, vm0, $0xb8;
	[tilespmem:$0x1CA00] =	vst v63  }
0x230: {  	s28 =	simm.s32 $0xA200  }
0x231: {  	[tilespmem:s28], [sflag:$0x1] =	stream.indirect_vreg.gather [hbm4b:s7+s3], $0x80, v4, vm0, $0xb8;
	[tilespmem:$0x1CA00] =	vst v63  }
0x232: {  	s13 =	simm.s32 $0xAA00  }
0x233: {  	[tilespmem:s13], [sflag:$0x1] =	stream.indirect_vreg.gather [hbm4b:s8+s3], $0x80, v4, vm0, $0xb8;
	[tilespmem:$0x1CA00] =	vst v63  }
0x234: {  	s16 =	simm.s32 $0xB200;
	v3 =	vperm.xlane v3, v2  }
0x235: {  	[tilespmem:s16], [sflag:$0x1] =	stream.indirect_vreg.gather [hbm4b:s9+s3], $0x80, v4, vm0, $0xb8;
	[tilespmem:$0x1CA00] =	vst v63  }
0x236: {  	s17 =	simm.s32 $0xBA00;
	v3 =	vadd.s32 v1, v3  }
0x237: {  	[tilespmem:s17], [sflag:$0x1] =	stream.indirect_vreg.gather [hbm4b:s10+s3], $0x80, v4, vm0, $0xb8;
	[tilespmem:$0x1CA00] =	vst v63  }
0x238: {  	s18 =	simm.s32 $0xC200  }
0x239: {  	[tilespmem:s18], [sflag:$0x1] =	stream.indirect_vreg.gather [hbm4b:s11+s3], $0x80, v4, vm0, $0xb8;
	[tilespmem:$0x1CA00] =	vst v63  }
0x23a: {  	s28 =	simm.s32 $0xCA00  }
0x23b: {  	[tilespmem:s28], [sflag:$0x1] =	stream.indirect_vreg.gather [hbm4b:s2+s3], $0x80, v3, vm0, $0xb8;
	[tilespmem:$0x1CA00] =	vst v63  }
0x23c: {  	s13 =	simm.s32 $0xD200  }
0x23d: {  	[tilespmem:s13], [sflag:$0x1] =	stream.indirect_vreg.gather [hbm4b:s5+s3], $0x80, v3, vm0, $0xb8;
	[tilespmem:$0x1CA00] =	vst v63  }
0x23e: {  	s16 =	simm.s32 $0xDA00  }
0x23f: {  	[tilespmem:s16], [sflag:$0x1] =	stream.indirect_vreg.gather [hbm4b:s6+s3], $0x80, v3, vm0, $0xb8;
	[tilespmem:$0x1CA00] =	vst v63  }
0x240: {  	s17 =	simm.s32 $0xE200  }
0x241: {  	[tilespmem:s17], [sflag:$0x1] =	stream.indirect_vreg.gather [hbm4b:s7+s3], $0x80, v3, vm0, $0xb8;
	[tilespmem:$0x1CA00] =	vst v63  }
0x242: {  	s13 =	simm.s32 $0xEA00  }
0x243: {  	[tilespmem:s13], [sflag:$0x1] =	stream.indirect_vreg.gather [hbm4b:s8+s3], $0x80, v3, vm0, $0xb8;
	[tilespmem:$0x1CA00] =	vst v63  }
0x244: {  	s16 =	simm.s32 $0xF200  }
0x245: {  	[tilespmem:s16], [sflag:$0x1] =	stream.indirect_vreg.gather [hbm4b:s9+s3], $0x80, v3, vm0, $0xb8;
	[tilespmem:$0x1CA00] =	vst v63  }
0x246: {  	s17 =	simm.s32 $0xFA00  }
0x247: {  	[tilespmem:s17], [sflag:$0x1] =	stream.indirect_vreg.gather [hbm4b:s10+s3], $0x80, v3, vm0, $0xb8;
	[tilespmem:$0x1CA00] =	vst v63  }
0x248: {  	s13 =	simm.s32 $0x10200  }
0x249: {  	[tilespmem:s13], [sflag:$0x1] =	stream.indirect_vreg.gather [hbm4b:s11+s3], $0x80, v3, vm0, $0xb8;
	[tilespmem:$0x1CA00] =	vst v63  }
0x24a: {  	_ =	swait.ge [sflag:s1], $0xC000  }
0x24b: {  	[sflag:s1] =	ssyncset.done $0x0  }
0x24c: {  	s13 =	simm.s32 $0x10A00;
	s0 =	rddreg [dreg:$0xa];
	[sflag:s1] =	ssyncadd.s32 $0xFFFF4000  }
0x24d: {  	[hbm4b:s0+s3] =	stream.linear.scatter [tilespmem:s13], [sflag:$0x4], $0xC000, $0x38;
	[tilespmem:$0x1CA00] =	vst v63  }
0x24e: {  	_ =	swait.ge [sflag:s4], $0xC000  }
0x24f: {  	[sflag:s4] =	ssyncset.done $0x0  }
0x250: {  	[sflag:s4] =	ssyncadd.s32 $0xFFFF4000  }
0x251: {  	v3 =	vld [tilespmem:$0x580];
	_ =	sdelay $0x4  }
0x252: {  	v60 =	vshll.u32 v3, $0x4  }
0x253: {  	v3 =	vand.u32 $0x7, v3;
	v4 =	vand.u32 $0xFFFFFF80, v60  }
0x254: {  	v3 =	vor.u32 v3, v4  }
0x255: {  	v4 =	vperm.xlane v3, v0;
	_ =	sdelay $0x1  }
0x256: {  	v4 =	vadd.s32 v1, v4;
	_ =	sdelay $0x4  }
0x257: {  	[tilespmem:s13], [sflag:$0x2] =	stream.indirect_vreg.gather [hbm4b:s2+s3], $0x80, v4, vm0, $0xb8;
	[tilespmem:$0x1CA00] =	vst v63  }
0x258: {  	s0 =	simm.s32 $0x11200  }
0x259: {  	[tilespmem:s0], [sflag:$0x2] =	stream.indirect_vreg.gather [hbm4b:s5+s3], $0x80, v4, vm0, $0xb8;
	[tilespmem:$0x1CA00] =	vst v63  }
0x25a: {  	s0 =	simm.s32 $0x11A00  }
0x25b: {  	[tilespmem:s0], [sflag:$0x2] =	stream.indirect_vreg.gather [hbm4b:s6+s3], $0x80, v4, vm0, $0xb8;
	[tilespmem:$0x1CA00] =	vst v63  }
0x25c: {  	s0 =	simm.s32 $0x12200  }
0x25d: {  	[tilespmem:s0], [sflag:$0x2] =	stream.indirect_vreg.gather [hbm4b:s7+s3], $0x80, v4, vm0, $0xb8;
	[tilespmem:$0x1CA00] =	vst v63  }
0x25e: {  	s0 =	simm.s32 $0x12A00  }
0x25f: {  	[tilespmem:s0], [sflag:$0x2] =	stream.indirect_vreg.gather [hbm4b:s8+s3], $0x80, v4, vm0, $0xb8;
	[tilespmem:$0x1CA00] =	vst v63  }
0x260: {  	v3 =	vperm.xlane v3, v2;
	s0 =	simm.s32 $0x13200  }
0x261: {  	[tilespmem:s0], [sflag:$0x2] =	stream.indirect_vreg.gather [hbm4b:s9+s3], $0x80, v4, vm0, $0xb8;
	[tilespmem:$0x1CA00] =	vst v63  }
0x262: {  	v3 =	vadd.s32 v1, v3;
	s0 =	simm.s32 $0x13A00  }
0x263: {  	[tilespmem:s0], [sflag:$0x2] =	stream.indirect_vreg.gather [hbm4b:s10+s3], $0x80, v4, vm0, $0xb8;
	[tilespmem:$0x1CA00] =	vst v63  }
0x264: {  	s0 =	simm.s32 $0x14200  }
0x265: {  	[tilespmem:s0], [sflag:$0x2] =	stream.indirect_vreg.gather [hbm4b:s11+s3], $0x80, v4, vm0, $0xb8;
	[tilespmem:$0x1CA00] =	vst v63  }
0x266: {  	s0 =	simm.s32 $0x14A00  }
0x267: {  	[tilespmem:s0], [sflag:$0x2] =	stream.indirect_vreg.gather [hbm4b:s2+s3], $0x80, v3, vm0, $0xb8;
	[tilespmem:$0x1CA00] =	vst v63  }
0x268: {  	s0 =	simm.s32 $0x15200  }
0x269: {  	[tilespmem:s0], [sflag:$0x2] =	stream.indirect_vreg.gather [hbm4b:s5+s3], $0x80, v3, vm0, $0xb8;
	[tilespmem:$0x1CA00] =	vst v63  }
0x26a: {  	s0 =	simm.s32 $0x15A00  }
0x26b: {  	[tilespmem:s0], [sflag:$0x2] =	stream.indirect_vreg.gather [hbm4b:s6+s3], $0x80, v3, vm0, $0xb8;
	[tilespmem:$0x1CA00] =	vst v63  }
0x26c: {  	s0 =	simm.s32 $0x16200  }
0x26d: {  	[tilespmem:s0], [sflag:$0x2] =	stream.indirect_vreg.gather [hbm4b:s7+s3], $0x80, v3, vm0, $0xb8;
	[tilespmem:$0x1CA00] =	vst v63  }
0x26e: {  	s0 =	simm.s32 $0x16A00  }
0x26f: {  	[tilespmem:s0], [sflag:$0x2] =	stream.indirect_vreg.gather [hbm4b:s8+s3], $0x80, v3, vm0, $0xb8;
	[tilespmem:$0x1CA00] =	vst v63  }
0x270: {  	s0 =	simm.s32 $0x17200  }
0x271: {  	[tilespmem:s0], [sflag:$0x2] =	stream.indirect_vreg.gather [hbm4b:s9+s3], $0x80, v3, vm0, $0xb8;
	[tilespmem:$0x1CA00] =	vst v63  }
0x272: {  	s0 =	simm.s32 $0x17A00  }
0x273: {  	[tilespmem:s0], [sflag:$0x2] =	stream.indirect_vreg.gather [hbm4b:s10+s3], $0x80, v3, vm0, $0xb8;
	[tilespmem:$0x1CA00] =	vst v63  }
0x274: {  	s0 =	simm.s32 $0x18200  }
0x275: {  	[tilespmem:s0], [sflag:$0x2] =	stream.indirect_vreg.gather [hbm4b:s11+s3], $0x80, v3, vm0, $0xb8;
	[tilespmem:$0x1CA00] =	vst v63  }
0x276: {  	v3 =	vld.msk [tilespmem:$0x590], $0xff;
	_ =	sdelay $0x4  }
0x277: {  	v61 =	vshll.u32 v3, $0x4  }
0x278: {  	v3 =	vand.u32 $0x7, v3;
	v4 =	vand.u32 $0xFFFFFF80, v61  }
0x279: {  	v3 =	vor.u32 v3, v4  }
0x27a: {  	v3 =	vperm.xlane v3, v0;
	_ =	sdelay $0x1  }
0x27b: {  	v3 =	vadd.s32 v1, v3;
	_ =	sdelay $0x3  }
0x27c: {  	s0 =	simm.s32 $0x18A00  }
0x27d: {  	[tilespmem:s0], [sflag:$0x2] =	stream.indirect_vreg.gather [hbm4b:s2+s3], $0x80, v3, vm0, $0xb8;
	[tilespmem:$0x1CA00] =	vst v63  }
0x27e: {  	s0 =	simm.s32 $0x19200  }
0x27f: {  	[tilespmem:s0], [sflag:$0x2] =	stream.indirect_vreg.gather [hbm4b:s5+s3], $0x80, v3, vm0, $0xb8;
	[tilespmem:$0x1CA00] =	vst v63  }
0x280: {  	s14 =	simm.s32 $0x19A00  }
0x281: {  	[tilespmem:s14], [sflag:$0x2] =	stream.indirect_vreg.gather [hbm4b:s6+s3], $0x80, v3, vm0, $0xb8;
	[tilespmem:$0x1CA00] =	vst v63  }
0x282: {  	s14 =	simm.s32 $0x1A200  }
0x283: {  	[tilespmem:s14], [sflag:$0x2] =	stream.indirect_vreg.gather [hbm4b:s7+s3], $0x80, v3, vm0, $0xb8;
	[tilespmem:$0x1CA00] =	vst v63  }
0x284: {  	s14 =	simm.s32 $0x1AA00  }
0x285: {  	[tilespmem:s14], [sflag:$0x2] =	stream.indirect_vreg.gather [hbm4b:s8+s3], $0x80, v3, vm0, $0xb8;
	[tilespmem:$0x1CA00] =	vst v63  }
0x286: {  	s14 =	simm.s32 $0x1B200  }
0x287: {  	[tilespmem:s14], [sflag:$0x2] =	stream.indirect_vreg.gather [hbm4b:s9+s3], $0x80, v3, vm0, $0xb8;
	[tilespmem:$0x1CA00] =	vst v63  }
0x288: {  	s14 =	simm.s32 $0x1BA00  }
0x289: {  	[tilespmem:s14], [sflag:$0x2] =	stream.indirect_vreg.gather [hbm4b:s10+s3], $0x80, v3, vm0, $0xb8;
	[tilespmem:$0x1CA00] =	vst v63  }
0x28a: {  	s14 =	simm.s32 $0x1C200  }
0x28b: {  	[tilespmem:s14], [sflag:$0x2] =	stream.indirect_vreg.gather [hbm4b:s11+s3], $0x80, v3, vm0, $0xb8;
	[tilespmem:$0x1CA00] =	vst v63  }
0x28c: {  	_ =	swait.ge [sflag:s15], $0x10000  }
0x28d: {  	[sflag:s15] =	ssyncset.done $0x0  }
0x28e: {  	s12 =	simm.s32 $0xA00;
	s14 =	rddreg [dreg:$0xb];
	[sflag:s15] =	ssyncadd.s32 $0xFFFF0000  }
0x28f: {  	[hbm4b:s14+s3] =	stream.linear.scatter [tilespmem:s12], [sflag:$0x3], $0x10000, $0x38;
	[tilespmem:$0x1CA00] =	vst v63  }
0x290: {  	_ =	swait.ge [sflag:s30], $0x10000  }
0x291: {  	[sflag:s30] =	ssyncset.done $0x0  }
0x292: {  	[sflag:s30] =	ssyncadd.s32 $0xFFFF0000  }
0x293: {  	v3 =	vld [tilespmem:$0x600];
	_ =	sdelay $0x4  }
0x294: {  	v62 =	vshll.u32 v3, $0x4  }
0x295: {  	v3 =	vand.u32 $0x7, v3;
	v4 =	vand.u32 $0xFFFFFF80, v62  }
0x296: {  	v3 =	vor.u32 v3, v4  }
0x297: {  	v4 =	vperm.xlane v3, v0;
	_ =	sdelay $0x1  }
0x298: {  	v4 =	vadd.s32 v1, v4;
	_ =	sdelay $0x4  }
0x299: {  	[tilespmem:s12], [sflag:$0x1] =	stream.indirect_vreg.gather [hbm4b:s2+s3], $0x80, v4, vm0, $0xb8;
	[tilespmem:$0x1CA00] =	vst v63  }
0x29a: {  	s14 =	simm.s32 $0x1200  }
0x29b: {  	[tilespmem:s14], [sflag:$0x1] =	stream.indirect_vreg.gather [hbm4b:s5+s3], $0x80, v4, vm0, $0xb8;
	[tilespmem:$0x1CA00] =	vst v63  }
0x29c: {  	s14 =	simm.s32 $0x1A00  }
0x29d: {  	[tilespmem:s14], [sflag:$0x1] =	stream.indirect_vreg.gather [hbm4b:s6+s3], $0x80, v4, vm0, $0xb8;
	[tilespmem:$0x1CA00] =	vst v63  }
0x29e: {  	s26 =	simm.s32 $0x2200  }
0x29f: {  	[tilespmem:s26], [sflag:$0x1] =	stream.indirect_vreg.gather [hbm4b:s7+s3], $0x80, v4, vm0, $0xb8;
	[tilespmem:$0x1CA00] =	vst v63  }
0x2a0: {  	s29 =	simm.s32 $0x2A00  }
0x2a1: {  	[tilespmem:s29], [sflag:$0x1] =	stream.indirect_vreg.gather [hbm4b:s8+s3], $0x80, v4, vm0, $0xb8;
	[tilespmem:$0x1CA00] =	vst v63  }
0x2a2: {  	v3 =	vperm.xlane v3, v2;
	s26 =	simm.s32 $0x3200  }
0x2a3: {  	[tilespmem:s26], [sflag:$0x1] =	stream.indirect_vreg.gather [hbm4b:s9+s3], $0x80, v4, vm0, $0xb8;
	[tilespmem:$0x1CA00] =	vst v63  }
0x2a4: {  	v3 =	vadd.s32 v1, v3;
	s29 =	simm.s32 $0x3A00  }
0x2a5: {  	[tilespmem:s29], [sflag:$0x1] =	stream.indirect_vreg.gather [hbm4b:s10+s3], $0x80, v4, vm0, $0xb8;
	[tilespmem:$0x1CA00] =	vst v63  }
0x2a6: {  	s14 =	simm.s32 $0x4200  }
0x2a7: {  	[tilespmem:s14], [sflag:$0x1] =	stream.indirect_vreg.gather [hbm4b:s11+s3], $0x80, v4, vm0, $0xb8;
	[tilespmem:$0x1CA00] =	vst v63  }
0x2a8: {  	s26 =	simm.s32 $0x4A00  }
0x2a9: {  	[tilespmem:s26], [sflag:$0x1] =	stream.indirect_vreg.gather [hbm4b:s2+s3], $0x80, v3, vm0, $0xb8;
	[tilespmem:$0x1CA00] =	vst v63  }
0x2aa: {  	s29 =	simm.s32 $0x5200  }
0x2ab: {  	[tilespmem:s29], [sflag:$0x1] =	stream.indirect_vreg.gather [hbm4b:s5+s3], $0x80, v3, vm0, $0xb8;
	[tilespmem:$0x1CA00] =	vst v63  }
0x2ac: {  	s31 =	simm.s32 $0x5A00  }
0x2ad: {  	[tilespmem:s31], [sflag:$0x1] =	stream.indirect_vreg.gather [hbm4b:s6+s3], $0x80, v3, vm0, $0xb8;
	[tilespmem:$0x1CA00] =	vst v63  }
0x2ae: {  	s19 =	simm.s32 $0x6200  }
0x2af: {  	[tilespmem:s19], [sflag:$0x1] =	stream.indirect_vreg.gather [hbm4b:s7+s3], $0x80, v3, vm0, $0xb8;
	[tilespmem:$0x1CA00] =	vst v63  }
0x2b0: {  	s20 =	simm.s32 $0x6A00  }
0x2b1: {  	[tilespmem:s20], [sflag:$0x1] =	stream.indirect_vreg.gather [hbm4b:s8+s3], $0x80, v3, vm0, $0xb8;
	[tilespmem:$0x1CA00] =	vst v63  }
0x2b2: {  	s21 =	simm.s32 $0x7200  }
0x2b3: {  	[tilespmem:s21], [sflag:$0x1] =	stream.indirect_vreg.gather [hbm4b:s9+s3], $0x80, v3, vm0, $0xb8;
	[tilespmem:$0x1CA00] =	vst v63  }
0x2b4: {  	s22 =	simm.s32 $0x7A00  }
0x2b5: {  	[tilespmem:s22], [sflag:$0x1] =	stream.indirect_vreg.gather [hbm4b:s10+s3], $0x80, v3, vm0, $0xb8;
	[tilespmem:$0x1CA00] =	vst v63  }
0x2b6: {  	s31 =	simm.s32 $0x8200  }
0x2b7: {  	[tilespmem:s31], [sflag:$0x1] =	stream.indirect_vreg.gather [hbm4b:s11+s3], $0x80, v3, vm0, $0xb8;
	[tilespmem:$0x1CA00] =	vst v63  }
0x2b8: {  	v3 =	vld [tilespmem:$0x610];
	_ =	sdelay $0x4  }
0x2b9: {  	v63 =	vshll.u32 v3, $0x4  }
0x2ba: {  	v3 =	vand.u32 $0x7, v3;
	v4 =	vand.u32 $0xFFFFFF80, v63  }
0x2bb: {  	v3 =	vor.u32 v3, v4  }
0x2bc: {  	v4 =	vperm.xlane v3, v0;
	_ =	sdelay $0x1  }
0x2bd: {  	v4 =	vadd.s32 v1, v4;
	_ =	sdelay $0x3  }
0x2be: {  	s23 =	simm.s32 $0x8A00  }
0x2bf: {  	[tilespmem:s23], [sflag:$0x1] =	stream.indirect_vreg.gather [hbm4b:s2+s3], $0x80, v4, vm0, $0xb8;
	[tilespmem:$0x1CA00] =	vst v63  }
0x2c0: {  	s24 =	simm.s32 $0x9200  }
0x2c1: {  	[tilespmem:s24], [sflag:$0x1] =	stream.indirect_vreg.gather [hbm4b:s5+s3], $0x80, v4, vm0, $0xb8;
	[tilespmem:$0x1CA00] =	vst v63  }
0x2c2: {  	s25 =	simm.s32 $0x9A00  }
0x2c3: {  	[tilespmem:s25], [sflag:$0x1] =	stream.indirect_vreg.gather [hbm4b:s6+s3], $0x80, v4, vm0, $0xb8;
	[tilespmem:$0x1CA00] =	vst v63  }
0x2c4: {  	s14 =	simm.s32 $0xA200  }
0x2c5: {  	[tilespmem:s14], [sflag:$0x1] =	stream.indirect_vreg.gather [hbm4b:s7+s3], $0x80, v4, vm0, $0xb8;
	[tilespmem:$0x1CA00] =	vst v63  }
0x2c6: {  	s19 =	simm.s32 $0xAA00  }
0x2c7: {  	[tilespmem:s19], [sflag:$0x1] =	stream.indirect_vreg.gather [hbm4b:s8+s3], $0x80, v4, vm0, $0xb8;
	[tilespmem:$0x1CA00] =	vst v63  }
0x2c8: {  	s20 =	simm.s32 $0xB200;
	v3 =	vperm.xlane v3, v2  }
0x2c9: {  	[tilespmem:s20], [sflag:$0x1] =	stream.indirect_vreg.gather [hbm4b:s9+s3], $0x80, v4, vm0, $0xb8;
	[tilespmem:$0x1CA00] =	vst v63  }
0x2ca: {  	s21 =	simm.s32 $0xBA00;
	v3 =	vadd.s32 v1, v3  }
0x2cb: {  	[tilespmem:s21], [sflag:$0x1] =	stream.indirect_vreg.gather [hbm4b:s10+s3], $0x80, v4, vm0, $0xb8;
	[tilespmem:$0x1CA00] =	vst v63  }
0x2cc: {  	s18 =	simm.s32 $0xC200  }
0x2cd: {  	[tilespmem:s18], [sflag:$0x1] =	stream.indirect_vreg.gather [hbm4b:s11+s3], $0x80, v4, vm0, $0xb8;
	[tilespmem:$0x1CA00] =	vst v63  }
0x2ce: {  	s22 =	simm.s32 $0xCA00  }
0x2cf: {  	[tilespmem:s22], [sflag:$0x1] =	stream.indirect_vreg.gather [hbm4b:s2+s3], $0x80, v3, vm0, $0xb8;
	[tilespmem:$0x1CA00] =	vst v63  }
0x2d0: {  	s28 =	simm.s32 $0xD200  }
0x2d1: {  	[tilespmem:s28], [sflag:$0x1] =	stream.indirect_vreg.gather [hbm4b:s5+s3], $0x80, v3, vm0, $0xb8;
	[tilespmem:$0x1CA00] =	vst v63  }
0x2d2: {  	s23 =	simm.s32 $0xDA00  }
0x2d3: {  	[tilespmem:s23], [sflag:$0x1] =	stream.indirect_vreg.gather [hbm4b:s6+s3], $0x80, v3, vm0, $0xb8;
	[tilespmem:$0x1CA00] =	vst v63  }
0x2d4: {  	s24 =	simm.s32 $0xE200  }
0x2d5: {  	[tilespmem:s24], [sflag:$0x1] =	stream.indirect_vreg.gather [hbm4b:s7+s3], $0x80, v3, vm0, $0xb8;
	[tilespmem:$0x1CA00] =	vst v63  }
0x2d6: {  	s25 =	simm.s32 $0xEA00  }
0x2d7: {  	[tilespmem:s25], [sflag:$0x1] =	stream.indirect_vreg.gather [hbm4b:s8+s3], $0x80, v3, vm0, $0xb8;
	[tilespmem:$0x1CA00] =	vst v63  }
0x2d8: {  	s16 =	simm.s32 $0xF200  }
0x2d9: {  	[tilespmem:s16], [sflag:$0x1] =	stream.indirect_vreg.gather [hbm4b:s9+s3], $0x80, v3, vm0, $0xb8;
	[tilespmem:$0x1CA00] =	vst v63  }
0x2da: {  	s26 =	simm.s32 $0xFA00  }
0x2db: {  	[tilespmem:s26], [sflag:$0x1] =	stream.indirect_vreg.gather [hbm4b:s10+s3], $0x80, v3, vm0, $0xb8;
	[tilespmem:$0x1CA00] =	vst v63  }
0x2dc: {  	s17 =	simm.s32 $0x10200  }
0x2dd: {  	[tilespmem:s17], [sflag:$0x1] =	stream.indirect_vreg.gather [hbm4b:s11+s3], $0x80, v3, vm0, $0xb8;
	[tilespmem:$0x1CA00] =	vst v63  }
0x2de: {  	_ =	swait.ge [sflag:s1], $0xC000  }
0x2df: {  	[sflag:s1] =	ssyncset.done $0x0  }
0x2e0: {  	s13 =	simm.s32 $0x10A00;
	s28 =	rddreg [dreg:$0xc];
	[sflag:s1] =	ssyncadd.s32 $0xFFFF4000  }
0x2e1: {  	[hbm4b:s28+s3] =	stream.linear.scatter [tilespmem:s13], [sflag:$0x4], $0xC000, $0x38;
	[tilespmem:$0x1CA00] =	vst v63  }
0x2e2: {  	s29 =	rddreg [dreg:$0x10];
	_ =	swait.ge [sflag:s15], $0x10000  }
0x2e3: {  	[sflag:s15] =	ssyncset.done $0x0  }
0x2e4: {  	s31 =	rddreg [dreg:$0xd];
	[sflag:s15] =	ssyncadd.s32 $0xFFFF0000  }
0x2e5: {  	[hbm4b:s31+s3] =	stream.linear.scatter [tilespmem:s12], [sflag:$0x3], $0x10000, $0x38;
	[tilespmem:$0x1CA00] =	vst v63  }
0x2e6: {  	p0 =	sne.s32 s29, $0x1;
	_ =	swait.ge [sflag:s4], $0xC000  }
.Ltmp0:
0x2e7: {  	[sflag:s4] =	ssyncset.done $0x0;
	(pc) =	sbr.rel @p0 .LBB2_1-.Ltmp0, $4  }
0x2e8: {  	[sflag:s4] =	ssyncadd.s32 $0xFFFF4000  }
0x2e9: {  	_ =	swait.ge [sflag:s30], $0x10000  }
0x2ea: {  	[sflag:s30] =	ssyncset.done $0x0  }
0x2eb: {  	s1 =	sadd.s32 $0xFFFFFFFF, s29;
	[sflag:s30] =	ssyncadd.s32 $0xFFFF0000  }
0x2ec: {  	_ =	sfence.sel $0x180000  }
0x2ed: {  	[bflag:$0x0] =	sbarrier.arrive $0xFFFF  }
0x2ee: {  	_ =	strace $0x90000047  }
0x2ef: {  	s0 =	stileid.u32;
	[bflag:$0x2] =	sbarrier.arrive $0xFFFF  }
0x2f0: {  	p0 =	sne.s32 s0, $0x0;
	s0 =	rddreg [dreg:$0x3]  }
0x2f1: {  	s0 =	sadd.s32 @!p0 $0x100000, s0  }
0x2f2: {  	[sflag:s0] =	ssyncadd.tile.s32 @!p0 $0x1;
	_ =	shalt  }
.Lfunc_end2:
_tile_overlayer_lowered:
.L_overlay_start_2:
0x2f3: {  	(tag) =	ssettag $0x2  }
0x2f4: {  	s0 =	rddreg [dreg:$0x0];
	s2 =	stileid.u32  }
0x2f5: {  	s1 =	rddreg [dreg:$0x1];
	p0 =	sne.s32 s2, $0x0  }
0x2f6: {  	s3 =	rddreg [dreg:$0x2];
	[bflag:$0x3] =	sbarrier.arrive $0xFFFF;
	s2 =	simm.s32 @!p0 $0x1C05  }
0x2f7: {  	[timem:s3], [sflag:s2] =	dma.local @!p0 [hbm:s0], s1  }
0x2f8: {  	s0 =	simm.s32 @!p0 $0x5  }
0x2f9: {  	_ =	swait.ge @!p0 [sflag:s0], s1  }
0x2fa: {  	s1 =	ssub.s32 @!p0 $0x0, s1;
	[sflag:s0] =	ssyncset.done @!p0 $0x0  }
0x2fb: {  	[sflag:s0] =	ssyncadd.s32 @!p0 s1  }
0x2fc: {  	[bflag:$0x3] =	sbarrier.arrive $0xFFFF  }
0x2fd: {  	_ =	shalt  }

</sc_bundles>
